<compile_context>
chip_gen: v7x
topology: tpu7x:2x2x1
jax: 0.10.2.dev20260603
libtpu: 0.0.44.dev20260713+nightly
codegen_flags: <defaults>
</compile_context>

<pallas_src>
import functools

import jax
import jax.numpy as jnp
from jax import lax
from jax.experimental import pallas as pl
from jax.experimental.pallas import tpu as pltpu
from jax.experimental.pallas import tpu_sc as plsc

NC = 2
NS = 16
NW = NC * NS
L = 16

CHUNK = 4096
UNROLL = 8

SC_ELEMS = 2883584

TC_BR = 2048


def _weight(t):
    wpos = jnp.where(t > 1.0, jnp.where(t > 2.0, 2.0, 4.0), 8.0)
    wneg = jnp.where(t > -1.0, 4.0, jnp.where(t > -2.0, 2.0, 1.0))
    return jnp.where(t > 0.0, wpos, wneg)


def _wsse_vec(p, t, a):
    d = p - t
    return a + _weight(t) * (d * d)


def _sc_partials(sc_elems):
    per_tec = sc_elems // NW
    nchunks = per_tec // CHUNK
    mesh = plsc.VectorSubcoreMesh(core_axis_name="c", subcore_axis_name="s")

    @functools.partial(
        pl.kernel,
        mesh=mesh,
        out_type=jax.ShapeDtypeStruct((NW * L,), jnp.float32),
        scratch_types=[
            pltpu.VMEM((2, CHUNK), jnp.float32),
            pltpu.VMEM((2, CHUNK), jnp.float32),
            pltpu.VMEM((L,), jnp.float32),
            pltpu.SemaphoreType.DMA,
            pltpu.SemaphoreType.DMA,
            pltpu.SemaphoreType.DMA,
            pltpu.SemaphoreType.DMA,
        ],
    )
    def wmse(pred_hbm, targ_hbm, out_hbm, pbuf, tbuf, accbuf, ps0, ps1, ts0, ts1):
        wid = lax.axis_index("c") * NS + lax.axis_index("s")
        tec_base = wid * per_tec
        psem = (ps0, ps1)
        tsem = (ts0, ts1)

        def start(chunk, b):
            src = pred_hbm.at[pl.ds(tec_base + chunk * CHUNK, CHUNK)]
            pltpu.async_copy(src, pbuf.at[b], psem[b])
            src = targ_hbm.at[pl.ds(tec_base + chunk * CHUNK, CHUNK)]
            pltpu.async_copy(src, tbuf.at[b], tsem[b])

        def wait(b):
            pltpu.make_async_copy(
                pred_hbm.at[pl.ds(0, CHUNK)], pbuf.at[b], psem[b]
            ).wait()
            pltpu.make_async_copy(
                targ_hbm.at[pl.ds(0, CHUNK)], tbuf.at[b], tsem[b]
            ).wait()

        def compute(b, acc):
            def vec_body(i, accs):
                out = []
                for u in range(UNROLL):
                    off = (i * UNROLL + u) * L
                    p = pbuf[b, pl.ds(off, L)]
                    t = tbuf[b, pl.ds(off, L)]
                    out.append(_wsse_vec(p, t, accs[u]))
                return tuple(out)

            return lax.fori_loop(0, CHUNK // (L * UNROLL), vec_body, acc)

        start(0, 0)
        start(1, 1)

        def pair_body(c2, acc):
            for b in range(2):
                chunk = c2 * 2 + b
                wait(b)
                acc = compute(b, acc)

                @pl.when(chunk + 2 < nchunks)
                def _():
                    start(chunk + 2, b)

            return acc

        zeros = jnp.zeros((L,), jnp.float32)
        accs = lax.fori_loop(0, nchunks // 2, pair_body, (zeros,) * UNROLL)
        acc = accs[0]
        for u in range(1, UNROLL):
            acc = acc + accs[u]
        accbuf[...] = acc
        pltpu.sync_copy(accbuf, out_hbm.at[pl.ds(wid * L, L)])

    return wmse


def _tc_partials(n, sc_elems):
    tc_rows = (n - sc_elems) // 128
    row0 = sc_elems // 128
    steps = tc_rows // TC_BR
    block0 = row0 // TC_BR

    def body(p_ref, t_ref, out_ref, acc_ref):
        i = pl.program_id(0)

        @pl.when(i == 0)
        def _():
            acc_ref[...] = jnp.zeros_like(acc_ref)

        p = p_ref[...]
        t = t_ref[...]
        d = p - t
        acc_ref[...] += _weight(t) * (d * d)

        @pl.when(i == steps - 1)
        def _():
            acc = acc_ref[...].reshape(TC_BR // 8, 8, 128)
            out_ref[...] = jnp.sum(acc, axis=0)

    return pl.pallas_call(
        body,
        grid=(steps,),
        in_specs=[
            pl.BlockSpec((TC_BR, 128), lambda i: (block0 + i, 0)),
            pl.BlockSpec((TC_BR, 128), lambda i: (block0 + i, 0)),
        ],
        out_specs=pl.BlockSpec((8, 128), lambda i: (0, 0)),
        out_shape=jax.ShapeDtypeStruct((8, 128), jnp.float32),
        scratch_shapes=[pltpu.VMEM((TC_BR, 128), jnp.float32)],
        compiler_params=pltpu.CompilerParams(
            dimension_semantics=("arbitrary",),
        ),
    )


def kernel(predicted, target):
    n = predicted.shape[0]
    pred2d = predicted.reshape(n // 128, 128)
    targ2d = target.reshape(n // 128, 128)
    tc_part = _tc_partials(n, SC_ELEMS)(pred2d, targ2d)
    sc_part = _sc_partials(SC_ELEMS)(predicted, target)
    return (jnp.sum(sc_part) + jnp.sum(tc_part)) / 21.0

# --- scband reference (transcript-rebuilt; emitter-appended) ---
"""Pipeline reference for scband-weighted-mseloss-6116033429792 (READ-ONLY COPY).

The authoritative reference and input builder live on the scoring server;
editing this copy changes nothing except your own understanding.
"""

import jax, jax.numpy as jnp
import numpy as np

WEIGHTS = jnp.array([1.0, 2.0, 4.0, 8.0, 4.0, 2.0], dtype=jnp.float32)
EDGES = jnp.array([-1e9, -2.0, -1.0, 0.0, 1.0, 2.0, 1e9], dtype=jnp.float32)


def setup_inputs(seed: int = 0) -> dict:
    key = jax.random.key(seed)
    k1, k2 = jax.random.split(key)
    N = 8388608
    predicted = jax.random.normal(k1, (N,), dtype=jnp.float32)
    target = jax.random.normal(k2, (N,), dtype=jnp.float32)
    return {"predicted": predicted, "target": target}


def reference(predicted, target):
    # Bin i covers (EDGES[i], EDGES[i+1]]; searchsorted(side='left') gives the
    # first j with EDGES[j] >= t, so bin index = j - 1. This reproduces the
    # torch loop `(target > edge[i]) & (target <= edge[i+1])`, where elements
    # falling outside all bins are dropped (weight 0). Sum order differs from
    # the torch concat-then-sum, but the math (weighted SSE) is identical.
    idx = jnp.searchsorted(EDGES, target, side="left") - 1
    in_range = (target > EDGES[0]) & (target <= EDGES[-1])
    idx = jnp.clip(idx, 0, WEIGHTS.shape[0] - 1)
    w = jnp.where(in_range, jnp.take(WEIGHTS, idx), 0.0)
    sq = (predicted - target) ** 2
    loss = jnp.sum(w * sq) / jnp.sum(WEIGHTS)
    return loss

if __name__ == "__main__":
    import jax
    _d = setup_inputs()
    print(jax.jit(kernel)(*tuple(_d.values())))

</pallas_src>

<mosaic_0001>
#map = affine_map<(d0, d1) -> (0)>
module attributes {stable_mosaic.version = 14 : i64} {
  func.func @wmse(%arg0: i32, %arg1: i32, %arg2: memref<8388608xf32, #tpu.memory_space<hbm>>, %arg3: memref<8388608xf32, #tpu.memory_space<hbm>>, %arg4: memref<512xf32, #tpu.memory_space<hbm>>, %arg5: memref<2x4096xf32, #tpu.memory_space<vmem>>, %arg6: memref<2x4096xf32, #tpu.memory_space<vmem>>, %arg7: memref<16xf32, #tpu.memory_space<vmem>>, %arg8: memref<!tpu.dma_semaphore, #tpu.memory_space<semaphore_mem>>, %arg9: memref<!tpu.dma_semaphore, #tpu.memory_space<semaphore_mem>>, %arg10: memref<!tpu.dma_semaphore, #tpu.memory_space<semaphore_mem>>, %arg11: memref<!tpu.dma_semaphore, #tpu.memory_space<semaphore_mem>>) attributes {dimension_semantics = [#tpu.dimension_semantics<core_parallel>, #tpu.dimension_semantics<subcore_parallel>], iteration_bounds = array<i64: 2, 16>, scalar_prefetch = 0 : i64, scratch_operands = 7 : i64, tpu.core_type = #tpu.core_type<sc_vector_subcore>, window_params = [{transform_indices = #map}, {transform_indices = #map}, {transform_indices = #map}]} {
    %mul3A = arith.constant 16 : i32
    %mul3A_0 = arith.muli %arg0, %mul3A : i32
    %add3A = arith.addi %mul3A_0, %arg1 : i32
    %mul3A_1 = arith.constant 90112 : i32
    %mul3A_2 = arith.muli %add3A, %mul3A_1 : i32
    %add3A_3 = arith.constant 0 : i32
    %add3A_4 = arith.addi %mul3A_2, %add3A_3 : i32
    %dma_start3A = arith.constant 0 : i32
    %dma_start3A_5 = arith.constant 0 : i32
    %dma_start3A_6 = tpu.memref_slice %arg5[%dma_start3A, %dma_start3A_5] : memref<2x4096xf32, #tpu.memory_space<vmem>> -> memref<1x4096xf32, #tpu.memory_space<vmem>>
    %dma_start3A_7 = tpu.memref_squeeze %dma_start3A_6 : memref<1x4096xf32, #tpu.memory_space<vmem>> -> memref<4096xf32, #tpu.memory_space<vmem>>
    %dma_start3A_8 = tpu.memref_slice %arg2[%add3A_4] : memref<8388608xf32, #tpu.memory_space<hbm>> -> memref<4096xf32, #tpu.memory_space<hbm>>
    %dma_start3A_9 = arith.constant 0 : i32
    %dma_start3A_10 = tpu.memref_slice %arg5[%dma_start3A, %dma_start3A_9] : memref<2x4096xf32, #tpu.memory_space<vmem>> -> memref<1x4096xf32, #tpu.memory_space<vmem>>
    %dma_start3A_11 = tpu.memref_squeeze %dma_start3A_10 : memref<1x4096xf32, #tpu.memory_space<vmem>> -> memref<4096xf32, #tpu.memory_space<vmem>>
    %dma_start3A_12 = tpu.memref_slice %arg2[%add3A_4] : memref<8388608xf32, #tpu.memory_space<hbm>> -> memref<4096xf32, #tpu.memory_space<hbm>>
    tpu.enqueue_dma source(%dma_start3A_12 : memref<4096xf32, #tpu.memory_space<hbm>>) target(%dma_start3A_11 : memref<4096xf32, #tpu.memory_space<vmem>>) target_semaphore(%arg8 : memref<!tpu.dma_semaphore, #tpu.memory_space<semaphore_mem>>)
    %add3A_13 = arith.constant 0 : i32
    %add3A_14 = arith.addi %mul3A_2, %add3A_13 : i32
    %dma_start3A_15 = arith.constant 0 : i32
    %dma_start3A_16 = arith.constant 0 : i32
    %dma_start3A_17 = tpu.memref_slice %arg6[%dma_start3A_15, %dma_start3A_16] : memref<2x4096xf32, #tpu.memory_space<vmem>> -> memref<1x4096xf32, #tpu.memory_space<vmem>>
    %dma_start3A_18 = tpu.memref_squeeze %dma_start3A_17 : memref<1x4096xf32, #tpu.memory_space<vmem>> -> memref<4096xf32, #tpu.memory_space<vmem>>
    %dma_start3A_19 = tpu.memref_slice %arg3[%add3A_14] : memref<8388608xf32, #tpu.memory_space<hbm>> -> memref<4096xf32, #tpu.memory_space<hbm>>
    %dma_start3A_20 = arith.constant 0 : i32
    %dma_start3A_21 = tpu.memref_slice %arg6[%dma_start3A_15, %dma_start3A_20] : memref<2x4096xf32, #tpu.memory_space<vmem>> -> memref<1x4096xf32, #tpu.memory_space<vmem>>
    %dma_start3A_22 = tpu.memref_squeeze %dma_start3A_21 : memref<1x4096xf32, #tpu.memory_space<vmem>> -> memref<4096xf32, #tpu.memory_space<vmem>>
    %dma_start3A_23 = tpu.memref_slice %arg3[%add3A_14] : memref<8388608xf32, #tpu.memory_space<hbm>> -> memref<4096xf32, #tpu.memory_space<hbm>>
    tpu.enqueue_dma source(%dma_start3A_23 : memref<4096xf32, #tpu.memory_space<hbm>>) target(%dma_start3A_22 : memref<4096xf32, #tpu.memory_space<vmem>>) target_semaphore(%arg10 : memref<!tpu.dma_semaphore, #tpu.memory_space<semaphore_mem>>)
    %add3A_24 = arith.constant 4096 : i32
    %add3A_25 = arith.addi %mul3A_2, %add3A_24 : i32
    %dma_start3A_26 = arith.constant 1 : i32
    %dma_start3A_27 = arith.constant 0 : i32
    %dma_start3A_28 = tpu.memref_slice %arg5[%dma_start3A_26, %dma_start3A_27] : memref<2x4096xf32, #tpu.memory_space<vmem>> -> memref<1x4096xf32, #tpu.memory_space<vmem>>
    %dma_start3A_29 = tpu.memref_squeeze %dma_start3A_28 : memref<1x4096xf32, #tpu.memory_space<vmem>> -> memref<4096xf32, #tpu.memory_space<vmem>>
    %dma_start3A_30 = tpu.memref_slice %arg2[%add3A_25] : memref<8388608xf32, #tpu.memory_space<hbm>> -> memref<4096xf32, #tpu.memory_space<hbm>>
    %dma_start3A_31 = arith.constant 0 : i32
    %dma_start3A_32 = tpu.memref_slice %arg5[%dma_start3A_26, %dma_start3A_31] : memref<2x4096xf32, #tpu.memory_space<vmem>> -> memref<1x4096xf32, #tpu.memory_space<vmem>>
    %dma_start3A_33 = tpu.memref_squeeze %dma_start3A_32 : memref<1x4096xf32, #tpu.memory_space<vmem>> -> memref<4096xf32, #tpu.memory_space<vmem>>
    %dma_start3A_34 = tpu.memref_slice %arg2[%add3A_25] : memref<8388608xf32, #tpu.memory_space<hbm>> -> memref<4096xf32, #tpu.memory_space<hbm>>
    tpu.enqueue_dma source(%dma_start3A_34 : memref<4096xf32, #tpu.memory_space<hbm>>) target(%dma_start3A_33 : memref<4096xf32, #tpu.memory_space<vmem>>) target_semaphore(%arg9 : memref<!tpu.dma_semaphore, #tpu.memory_space<semaphore_mem>>)
    %add3A_35 = arith.constant 4096 : i32
    %add3A_36 = arith.addi %mul3A_2, %add3A_35 : i32
    %dma_start3A_37 = arith.constant 1 : i32
    %dma_start3A_38 = arith.constant 0 : i32
    %dma_start3A_39 = tpu.memref_slice %arg6[%dma_start3A_37, %dma_start3A_38] : memref<2x4096xf32, #tpu.memory_space<vmem>> -> memref<1x4096xf32, #tpu.memory_space<vmem>>
    %dma_start3A_40 = tpu.memref_squeeze %dma_start3A_39 : memref<1x4096xf32, #tpu.memory_space<vmem>> -> memref<4096xf32, #tpu.memory_space<vmem>>
    %dma_start3A_41 = tpu.memref_slice %arg3[%add3A_36] : memref<8388608xf32, #tpu.memory_space<hbm>> -> memref<4096xf32, #tpu.memory_space<hbm>>
    %dma_start3A_42 = arith.constant 0 : i32
    %dma_start3A_43 = tpu.memref_slice %arg6[%dma_start3A_37, %dma_start3A_42] : memref<2x4096xf32, #tpu.memory_space<vmem>> -> memref<1x4096xf32, #tpu.memory_space<vmem>>
    %dma_start3A_44 = tpu.memref_squeeze %dma_start3A_43 : memref<1x4096xf32, #tpu.memory_space<vmem>> -> memref<4096xf32, #tpu.memory_space<vmem>>
    %dma_start3A_45 = tpu.memref_slice %arg3[%add3A_36] : memref<8388608xf32, #tpu.memory_space<hbm>> -> memref<4096xf32, #tpu.memory_space<hbm>>
    tpu.enqueue_dma source(%dma_start3A_45 : memref<4096xf32, #tpu.memory_space<hbm>>) target(%dma_start3A_44 : memref<4096xf32, #tpu.memory_space<vmem>>) target_semaphore(%arg11 : memref<!tpu.dma_semaphore, #tpu.memory_space<semaphore_mem>>)
    %broadcast_in_dim3A = arith.constant 0.000000e+00 : f32
    %broadcast_in_dim3A_46 = vector.broadcast %broadcast_in_dim3A : f32 to vector<16xf32>
    %scan3A = arith.constant 0 : i32
    %scan3A_47 = arith.constant 11 : i32
    %scan3A_48 = arith.addi %scan3A, %scan3A_47 : i32
    %scan3A_49 = arith.constant 1 : i32
    %scan3A_50:8 = scf.for %scan3A_64 = %scan3A to %scan3A_48 step %scan3A_49 iter_args(%scan3A_65 = %broadcast_in_dim3A_46, %scan3A_66 = %broadcast_in_dim3A_46, %scan3A_67 = %broadcast_in_dim3A_46, %scan3A_68 = %broadcast_in_dim3A_46, %scan3A_69 = %broadcast_in_dim3A_46, %scan3A_70 = %broadcast_in_dim3A_46, %scan3A_71 = %broadcast_in_dim3A_46, %scan3A_72 = %broadcast_in_dim3A_46) -> (vector<16xf32>, vector<16xf32>, vector<16xf32>, vector<16xf32>, vector<16xf32>, vector<16xf32>, vector<16xf32>, vector<16xf32>)  : i32 {
      %mul3A_73 = arith.constant 2 : i32
      %mul3A_74 = arith.muli %scan3A_64, %mul3A_73 : i32
      %add3A_75 = arith.constant 0 : i32
      %add3A_76 = arith.addi %mul3A_74, %add3A_75 : i32
      %dma_wait3A = arith.constant 0 : i32
      %dma_wait3A_77 = arith.constant 0 : i32
      %dma_wait3A_78 = tpu.memref_slice %arg5[%dma_wait3A, %dma_wait3A_77] : memref<2x4096xf32, #tpu.memory_space<vmem>> -> memref<1x4096xf32, #tpu.memory_space<vmem>>
      %dma_wait3A_79 = tpu.memref_squeeze %dma_wait3A_78 : memref<1x4096xf32, #tpu.memory_space<vmem>> -> memref<4096xf32, #tpu.memory_space<vmem>>
      %dma_wait3A_80 = arith.constant 0 : i32
      %dma_wait3A_81 = tpu.memref_slice %arg2[%dma_wait3A_80] : memref<8388608xf32, #tpu.memory_space<hbm>> -> memref<4096xf32, #tpu.memory_space<hbm>>
      %dma_wait3A_82 = arith.constant 0 : i32
      %dma_wait3A_83 = tpu.memref_slice %arg5[%dma_wait3A, %dma_wait3A_82] : memref<2x4096xf32, #tpu.memory_space<vmem>> -> memref<1x4096xf32, #tpu.memory_space<vmem>>
      %dma_wait3A_84 = tpu.memref_squeeze %dma_wait3A_83 : memref<1x4096xf32, #tpu.memory_space<vmem>> -> memref<4096xf32, #tpu.memory_space<vmem>>
      %dma_wait3A_85 = arith.constant 0 : i32
      %dma_wait3A_86 = tpu.memref_slice %arg2[%dma_wait3A_85] : memref<8388608xf32, #tpu.memory_space<hbm>> -> memref<4096xf32, #tpu.memory_space<hbm>>
      tpu.wait_dma2 semaphore(%arg8 : memref<!tpu.dma_semaphore, #tpu.memory_space<semaphore_mem>>) src(%dma_wait3A_86 : memref<4096xf32, #tpu.memory_space<hbm>>) dst(%dma_wait3A_84 : memref<4096xf32, #tpu.memory_space<vmem>>)
      %dma_wait3A_87 = arith.constant 0 : i32
      %dma_wait3A_88 = arith.constant 0 : i32
      %dma_wait3A_89 = tpu.memref_slice %arg6[%dma_wait3A_87, %dma_wait3A_88] : memref<2x4096xf32, #tpu.memory_space<vmem>> -> memref<1x4096xf32, #tpu.memory_space<vmem>>
      %dma_wait3A_90 = tpu.memref_squeeze %dma_wait3A_89 : memref<1x4096xf32, #tpu.memory_space<vmem>> -> memref<4096xf32, #tpu.memory_space<vmem>>
      %dma_wait3A_91 = arith.constant 0 : i32
      %dma_wait3A_92 = tpu.memref_slice %arg3[%dma_wait3A_91] : memref<8388608xf32, #tpu.memory_space<hbm>> -> memref<4096xf32, #tpu.memory_space<hbm>>
      %dma_wait3A_93 = arith.constant 0 : i32
      %dma_wait3A_94 = tpu.memref_slice %arg6[%dma_wait3A_87, %dma_wait3A_93] : memref<2x4096xf32, #tpu.memory_space<vmem>> -> memref<1x4096xf32, #tpu.memory_space<vmem>>
      %dma_wait3A_95 = tpu.memref_squeeze %dma_wait3A_94 : memref<1x4096xf32, #tpu.memory_space<vmem>> -> memref<4096xf32, #tpu.memory_space<vmem>>
      %dma_wait3A_96 = arith.constant 0 : i32
      %dma_wait3A_97 = tpu.memref_slice %arg3[%dma_wait3A_96] : memref<8388608xf32, #tpu.memory_space<hbm>> -> memref<4096xf32, #tpu.memory_space<hbm>>
      tpu.wait_dma2 semaphore(%arg10 : memref<!tpu.dma_semaphore, #tpu.memory_space<semaphore_mem>>) src(%dma_wait3A_97 : memref<4096xf32, #tpu.memory_space<hbm>>) dst(%dma_wait3A_95 : memref<4096xf32, #tpu.memory_space<vmem>>)
      %scan3A_98 = arith.constant 0 : i32
      %scan3A_99 = arith.constant 32 : i32
      %scan3A_100 = arith.addi %scan3A_98, %scan3A_99 : i32
      %scan3A_101 = arith.constant 1 : i32
      %scan3A_102:8 = scf.for %scan3A_147 = %scan3A_98 to %scan3A_100 step %scan3A_101 iter_args(%scan3A_148 = %scan3A_65, %scan3A_149 = %scan3A_66, %scan3A_150 = %scan3A_67, %scan3A_151 = %scan3A_68, %scan3A_152 = %scan3A_69, %scan3A_153 = %scan3A_70, %scan3A_154 = %scan3A_71, %scan3A_155 = %scan3A_72) -> (vector<16xf32>, vector<16xf32>, vector<16xf32>, vector<16xf32>, vector<16xf32>, vector<16xf32>, vector<16xf32>, vector<16xf32>)  : i32 {
        %mul3A_156 = arith.constant 8 : i32
        %mul3A_157 = arith.muli %scan3A_147, %mul3A_156 : i32
        %add3A_158 = arith.constant 0 : i32
        %add3A_159 = arith.addi %mul3A_157, %add3A_158 : i32
        %mul3A_160 = arith.constant 16 : i32
        %mul3A_161 = arith.muli %add3A_159, %mul3A_160 : i32
        %get3A = arith.constant 0 : i32
        %get3A_162 = arith.index_cast %get3A : i32 to index
        %get3A_163 = arith.index_cast %mul3A_161 : i32 to index
        %get3A_164 = tpu.vector_load %arg5[%get3A_162, %get3A_163] {strides = array<i32>} : memref<2x4096xf32, #tpu.memory_space<vmem>>, vector<1x16xf32>,
        %get3A_165 = vector.shape_cast %get3A_164 : vector<1x16xf32> to vector<16xf32>
        %get3A_166 = arith.constant 0 : i32
        %get3A_167 = arith.index_cast %get3A_166 : i32 to index
        %get3A_168 = arith.index_cast %mul3A_161 : i32 to index
        %get3A_169 = tpu.vector_load %arg6[%get3A_167, %get3A_168] {strides = array<i32>} : memref<2x4096xf32, #tpu.memory_space<vmem>>, vector<1x16xf32>,
        %get3A_170 = vector.shape_cast %get3A_169 : vector<1x16xf32> to vector<16xf32>
        %sub3A = arith.subf %get3A_165, %get3A_170 : vector<16xf32>
        %gt3A = arith.constant 1.000000e+00 : f32
        %gt3A_171 = vector.broadcast %gt3A : f32 to vector<16xf32>
        %gt3A_172 = arith.cmpf ogt, %get3A_170, %gt3A_171 : vector<16xf32>
        %gt3A_173 = arith.constant 2.000000e+00 : f32
        %gt3A_174 = vector.broadcast %gt3A_173 : f32 to vector<16xf32>
        %gt3A_175 = arith.cmpf ogt, %get3A_170, %gt3A_174 : vector<16xf32>
        %jit3A = arith.constant 2.000000e+00 : f32
        %jit3A_176 = arith.constant 4.000000e+00 : f32
        %broadcast_in_dim3A_177 = vector.broadcast %jit3A : f32 to vector<16xf32>
        %broadcast_in_dim3A_178 = vector.broadcast %jit3A_176 : f32 to vector<16xf32>
        %select_n3A = arith.select %gt3A_175, %broadcast_in_dim3A_177, %broadcast_in_dim3A_178 : vector<16xi1>, vector<16xf32>
        %jit3A_179 = arith.constant 8.000000e+00 : f32
        %broadcast_in_dim3A_180 = vector.broadcast %jit3A_179 : f32 to vector<16xf32>
        %select_n3A_181 = arith.select %gt3A_172, %select_n3A, %broadcast_in_dim3A_180 : vector<16xi1>, vector<16xf32>
        %gt3A_182 = arith.constant -1.000000e+00 : f32
        %gt3A_183 = vector.broadcast %gt3A_182 : f32 to vector<16xf32>
        %gt3A_184 = arith.cmpf ogt, %get3A_170, %gt3A_183 : vector<16xf32>
        %gt3A_185 = arith.constant -2.000000e+00 : f32
        %gt3A_186 = vector.broadcast %gt3A_185 : f32 to vector<16xf32>
        %gt3A_187 = arith.cmpf ogt, %get3A_170, %gt3A_186 : vector<16xf32>
        %jit3A_188 = arith.constant 2.000000e+00 : f32
        %jit3A_189 = arith.constant 1.000000e+00 : f32
        %broadcast_in_dim3A_190 = vector.broadcast %jit3A_188 : f32 to vector<16xf32>
        %broadcast_in_dim3A_191 = vector.broadcast %jit3A_189 : f32 to vector<16xf32>
        %select_n3A_192 = arith.select %gt3A_187, %broadcast_in_dim3A_190, %broadcast_in_dim3A_191 : vector<16xi1>, vector<16xf32>
        %jit3A_193 = arith.constant 4.000000e+00 : f32
        %broadcast_in_dim3A_194 = vector.broadcast %jit3A_193 : f32 to vector<16xf32>
        %select_n3A_195 = arith.select %gt3A_184, %broadcast_in_dim3A_194, %select_n3A_192 : vector<16xi1>, vector<16xf32>
        %gt3A_196 = arith.constant 0.000000e+00 : f32
        %gt3A_197 = vector.broadcast %gt3A_196 : f32 to vector<16xf32>
        %gt3A_198 = arith.cmpf ogt, %get3A_170, %gt3A_197 : vector<16xf32>
        %select_n3A_199 = arith.select %gt3A_198, %select_n3A_181, %select_n3A_195 : vector<16xi1>, vector<16xf32>
        %mul3A_200 = arith.mulf %sub3A, %sub3A : vector<16xf32>
        %mul3A_201 = arith.mulf %select_n3A_199, %mul3A_200 : vector<16xf32>
        %add3A_202 = arith.addf %scan3A_148, %mul3A_201 : vector<16xf32>
        %mul3A_203 = arith.constant 8 : i32
        %mul3A_204 = arith.muli %scan3A_147, %mul3A_203 : i32
        %add3A_205 = arith.constant 1 : i32
        %add3A_206 = arith.addi %mul3A_204, %add3A_205 : i32
        %mul3A_207 = arith.constant 16 : i32
        %mul3A_208 = arith.muli %add3A_206, %mul3A_207 : i32
        %get3A_209 = arith.constant 0 : i32
        %get3A_210 = arith.index_cast %get3A_209 : i32 to index
        %get3A_211 = arith.index_cast %mul3A_208 : i32 to index
        %get3A_212 = tpu.vector_load %arg5[%get3A_210, %get3A_211] {strides = array<i32>} : memref<2x4096xf32, #tpu.memory_space<vmem>>, vector<1x16xf32>,
        %get3A_213 = vector.shape_cast %get3A_212 : vector<1x16xf32> to vector<16xf32>
        %get3A_214 = arith.constant 0 : i32
        %get3A_215 = arith.index_cast %get3A_214 : i32 to index
        %get3A_216 = arith.index_cast %mul3A_208 : i32 to index
        %get3A_217 = tpu.vector_load %arg6[%get3A_215, %get3A_216] {strides = array<i32>} : memref<2x4096xf32, #tpu.memory_space<vmem>>, vector<1x16xf32>,
        %get3A_218 = vector.shape_cast %get3A_217 : vector<1x16xf32> to vector<16xf32>
        %sub3A_219 = arith.subf %get3A_213, %get3A_218 : vector<16xf32>
        %gt3A_220 = arith.constant 1.000000e+00 : f32
        %gt3A_221 = vector.broadcast %gt3A_220 : f32 to vector<16xf32>
        %gt3A_222 = arith.cmpf ogt, %get3A_218, %gt3A_221 : vector<16xf32>
        %gt3A_223 = arith.constant 2.000000e+00 : f32
        %gt3A_224 = vector.broadcast %gt3A_223 : f32 to vector<16xf32>
        %gt3A_225 = arith.cmpf ogt, %get3A_218, %gt3A_224 : vector<16xf32>
        %jit3A_226 = arith.constant 2.000000e+00 : f32
        %jit3A_227 = arith.constant 4.000000e+00 : f32
        %broadcast_in_dim3A_228 = vector.broadcast %jit3A_226 : f32 to vector<16xf32>
        %broadcast_in_dim3A_229 = vector.broadcast %jit3A_227 : f32 to vector<16xf32>
        %select_n3A_230 = arith.select %gt3A_225, %broadcast_in_dim3A_228, %broadcast_in_dim3A_229 : vector<16xi1>, vector<16xf32>
        %jit3A_231 = arith.constant 8.000000e+00 : f32
        %broadcast_in_dim3A_232 = vector.broadcast %jit3A_231 : f32 to vector<16xf32>
        %select_n3A_233 = arith.select %gt3A_222, %select_n3A_230, %broadcast_in_dim3A_232 : vector<16xi1>, vector<16xf32>
        %gt3A_234 = arith.constant -1.000000e+00 : f32
        %gt3A_235 = vector.broadcast %gt3A_234 : f32 to vector<16xf32>
        %gt3A_236 = arith.cmpf ogt, %get3A_218, %gt3A_235 : vector<16xf32>
        %gt3A_237 = arith.constant -2.000000e+00 : f32
        %gt3A_238 = vector.broadcast %gt3A_237 : f32 to vector<16xf32>
        %gt3A_239 = arith.cmpf ogt, %get3A_218, %gt3A_238 : vector<16xf32>
        %jit3A_240 = arith.constant 2.000000e+00 : f32
        %jit3A_241 = arith.constant 1.000000e+00 : f32
        %broadcast_in_dim3A_242 = vector.broadcast %jit3A_240 : f32 to vector<16xf32>
        %broadcast_in_dim3A_243 = vector.broadcast %jit3A_241 : f32 to vector<16xf32>
        %select_n3A_244 = arith.select %gt3A_239, %broadcast_in_dim3A_242, %broadcast_in_dim3A_243 : vector<16xi1>, vector<16xf32>
        %jit3A_245 = arith.constant 4.000000e+00 : f32
        %broadcast_in_dim3A_246 = vector.broadcast %jit3A_245 : f32 to vector<16xf32>
        %select_n3A_247 = arith.select %gt3A_236, %broadcast_in_dim3A_246, %select_n3A_244 : vector<16xi1>, vector<16xf32>
        %gt3A_248 = arith.constant 0.000000e+00 : f32
        %gt3A_249 = vector.broadcast %gt3A_248 : f32 to vector<16xf32>
        %gt3A_250 = arith.cmpf ogt, %get3A_218, %gt3A_249 : vector<16xf32>
        %select_n3A_251 = arith.select %gt3A_250, %select_n3A_233, %select_n3A_247 : vector<16xi1>, vector<16xf32>
        %mul3A_252 = arith.mulf %sub3A_219, %sub3A_219 : vector<16xf32>
        %mul3A_253 = arith.mulf %select_n3A_251, %mul3A_252 : vector<16xf32>
        %add3A_254 = arith.addf %scan3A_149, %mul3A_253 : vector<16xf32>
        %mul3A_255 = arith.constant 8 : i32
        %mul3A_256 = arith.muli %scan3A_147, %mul3A_255 : i32
        %add3A_257 = arith.constant 2 : i32
        %add3A_258 = arith.addi %mul3A_256, %add3A_257 : i32
        %mul3A_259 = arith.constant 16 : i32
        %mul3A_260 = arith.muli %add3A_258, %mul3A_259 : i32
        %get3A_261 = arith.constant 0 : i32
        %get3A_262 = arith.index_cast %get3A_261 : i32 to index
        %get3A_263 = arith.index_cast %mul3A_260 : i32 to index
        %get3A_264 = tpu.vector_load %arg5[%get3A_262, %get3A_263] {strides = array<i32>} : memref<2x4096xf32, #tpu.memory_space<vmem>>, vector<1x16xf32>,
        %get3A_265 = vector.shape_cast %get3A_264 : vector<1x16xf32> to vector<16xf32>
        %get3A_266 = arith.constant 0 : i32
        %get3A_267 = arith.index_cast %get3A_266 : i32 to index
        %get3A_268 = arith.index_cast %mul3A_260 : i32 to index
        %get3A_269 = tpu.vector_load %arg6[%get3A_267, %get3A_268] {strides = array<i32>} : memref<2x4096xf32, #tpu.memory_space<vmem>>, vector<1x16xf32>,
        %get3A_270 = vector.shape_cast %get3A_269 : vector<1x16xf32> to vector<16xf32>
        %sub3A_271 = arith.subf %get3A_265, %get3A_270 : vector<16xf32>
        %gt3A_272 = arith.constant 1.000000e+00 : f32
        %gt3A_273 = vector.broadcast %gt3A_272 : f32 to vector<16xf32>
        %gt3A_274 = arith.cmpf ogt, %get3A_270, %gt3A_273 : vector<16xf32>
        %gt3A_275 = arith.constant 2.000000e+00 : f32
        %gt3A_276 = vector.broadcast %gt3A_275 : f32 to vector<16xf32>
        %gt3A_277 = arith.cmpf ogt, %get3A_270, %gt3A_276 : vector<16xf32>
        %jit3A_278 = arith.constant 2.000000e+00 : f32
        %jit3A_279 = arith.constant 4.000000e+00 : f32
        %broadcast_in_dim3A_280 = vector.broadcast %jit3A_278 : f32 to vector<16xf32>
        %broadcast_in_dim3A_281 = vector.broadcast %jit3A_279 : f32 to vector<16xf32>
        %select_n3A_282 = arith.select %gt3A_277, %broadcast_in_dim3A_280, %broadcast_in_dim3A_281 : vector<16xi1>, vector<16xf32>
        %jit3A_283 = arith.constant 8.000000e+00 : f32
        %broadcast_in_dim3A_284 = vector.broadcast %jit3A_283 : f32 to vector<16xf32>
        %select_n3A_285 = arith.select %gt3A_274, %select_n3A_282, %broadcast_in_dim3A_284 : vector<16xi1>, vector<16xf32>
        %gt3A_286 = arith.constant -1.000000e+00 : f32
        %gt3A_287 = vector.broadcast %gt3A_286 : f32 to vector<16xf32>
        %gt3A_288 = arith.cmpf ogt, %get3A_270, %gt3A_287 : vector<16xf32>
        %gt3A_289 = arith.constant -2.000000e+00 : f32
        %gt3A_290 = vector.broadcast %gt3A_289 : f32 to vector<16xf32>
        %gt3A_291 = arith.cmpf ogt, %get3A_270, %gt3A_290 : vector<16xf32>
        %jit3A_292 = arith.constant 2.000000e+00 : f32
        %jit3A_293 = arith.constant 1.000000e+00 : f32
        %broadcast_in_dim3A_294 = vector.broadcast %jit3A_292 : f32 to vector<16xf32>
        %broadcast_in_dim3A_295 = vector.broadcast %jit3A_293 : f32 to vector<16xf32>
        %select_n3A_296 = arith.select %gt3A_291, %broadcast_in_dim3A_294, %broadcast_in_dim3A_295 : vector<16xi1>, vector<16xf32>
        %jit3A_297 = arith.constant 4.000000e+00 : f32
        %broadcast_in_dim3A_298 = vector.broadcast %jit3A_297 : f32 to vector<16xf32>
        %select_n3A_299 = arith.select %gt3A_288, %broadcast_in_dim3A_298, %select_n3A_296 : vector<16xi1>, vector<16xf32>
        %gt3A_300 = arith.constant 0.000000e+00 : f32
        %gt3A_301 = vector.broadcast %gt3A_300 : f32 to vector<16xf32>
        %gt3A_302 = arith.cmpf ogt, %get3A_270, %gt3A_301 : vector<16xf32>
        %select_n3A_303 = arith.select %gt3A_302, %select_n3A_285, %select_n3A_299 : vector<16xi1>, vector<16xf32>
        %mul3A_304 = arith.mulf %sub3A_271, %sub3A_271 : vector<16xf32>
        %mul3A_305 = arith.mulf %select_n3A_303, %mul3A_304 : vector<16xf32>
        %add3A_306 = arith.addf %scan3A_150, %mul3A_305 : vector<16xf32>
        %mul3A_307 = arith.constant 8 : i32
        %mul3A_308 = arith.muli %scan3A_147, %mul3A_307 : i32
        %add3A_309 = arith.constant 3 : i32
        %add3A_310 = arith.addi %mul3A_308, %add3A_309 : i32
        %mul3A_311 = arith.constant 16 : i32
        %mul3A_312 = arith.muli %add3A_310, %mul3A_311 : i32
        %get3A_313 = arith.constant 0 : i32
        %get3A_314 = arith.index_cast %get3A_313 : i32 to index
        %get3A_315 = arith.index_cast %mul3A_312 : i32 to index
        %get3A_316 = tpu.vector_load %arg5[%get3A_314, %get3A_315] {strides = array<i32>} : memref<2x4096xf32, #tpu.memory_space<vmem>>, vector<1x16xf32>,
        %get3A_317 = vector.shape_cast %get3A_316 : vector<1x16xf32> to vector<16xf32>
        %get3A_318 = arith.constant 0 : i32
        %get3A_319 = arith.index_cast %get3A_318 : i32 to index
        %get3A_320 = arith.index_cast %mul3A_312 : i32 to index
        %get3A_321 = tpu.vector_load %arg6[%get3A_319, %get3A_320] {strides = array<i32>} : memref<2x4096xf32, #tpu.memory_space<vmem>>, vector<1x16xf32>,
        %get3A_322 = vector.shape_cast %get3A_321 : vector<1x16xf32> to vector<16xf32>
        %sub3A_323 = arith.subf %get3A_317, %get3A_322 : vector<16xf32>
        %gt3A_324 = arith.constant 1.000000e+00 : f32
        %gt3A_325 = vector.broadcast %gt3A_324 : f32 to vector<16xf32>
        %gt3A_326 = arith.cmpf ogt, %get3A_322, %gt3A_325 : vector<16xf32>
        %gt3A_327 = arith.constant 2.000000e+00 : f32
        %gt3A_328 = vector.broadcast %gt3A_327 : f32 to vector<16xf32>
        %gt3A_329 = arith.cmpf ogt, %get3A_322, %gt3A_328 : vector<16xf32>
        %jit3A_330 = arith.constant 2.000000e+00 : f32
        %jit3A_331 = arith.constant 4.000000e+00 : f32
        %broadcast_in_dim3A_332 = vector.broadcast %jit3A_330 : f32 to vector<16xf32>
        %broadcast_in_dim3A_333 = vector.broadcast %jit3A_331 : f32 to vector<16xf32>
        %select_n3A_334 = arith.select %gt3A_329, %broadcast_in_dim3A_332, %broadcast_in_dim3A_333 : vector<16xi1>, vector<16xf32>
        %jit3A_335 = arith.constant 8.000000e+00 : f32
        %broadcast_in_dim3A_336 = vector.broadcast %jit3A_335 : f32 to vector<16xf32>
        %select_n3A_337 = arith.select %gt3A_326, %select_n3A_334, %broadcast_in_dim3A_336 : vector<16xi1>, vector<16xf32>
        %gt3A_338 = arith.constant -1.000000e+00 : f32
        %gt3A_339 = vector.broadcast %gt3A_338 : f32 to vector<16xf32>
        %gt3A_340 = arith.cmpf ogt, %get3A_322, %gt3A_339 : vector<16xf32>
        %gt3A_341 = arith.constant -2.000000e+00 : f32
        %gt3A_342 = vector.broadcast %gt3A_341 : f32 to vector<16xf32>
        %gt3A_343 = arith.cmpf ogt, %get3A_322, %gt3A_342 : vector<16xf32>
        %jit3A_344 = arith.constant 2.000000e+00 : f32
        %jit3A_345 = arith.constant 1.000000e+00 : f32
        %broadcast_in_dim3A_346 = vector.broadcast %jit3A_344 : f32 to vector<16xf32>
        %broadcast_in_dim3A_347 = vector.broadcast %jit3A_345 : f32 to vector<16xf32>
        %select_n3A_348 = arith.select %gt3A_343, %broadcast_in_dim3A_346, %broadcast_in_dim3A_347 : vector<16xi1>, vector<16xf32>
        %jit3A_349 = arith.constant 4.000000e+00 : f32
        %broadcast_in_dim3A_350 = vector.broadcast %jit3A_349 : f32 to vector<16xf32>
        %select_n3A_351 = arith.select %gt3A_340, %broadcast_in_dim3A_350, %select_n3A_348 : vector<16xi1>, vector<16xf32>
        %gt3A_352 = arith.constant 0.000000e+00 : f32
        %gt3A_353 = vector.broadcast %gt3A_352 : f32 to vector<16xf32>
        %gt3A_354 = arith.cmpf ogt, %get3A_322, %gt3A_353 : vector<16xf32>
        %select_n3A_355 = arith.select %gt3A_354, %select_n3A_337, %select_n3A_351 : vector<16xi1>, vector<16xf32>
        %mul3A_356 = arith.mulf %sub3A_323, %sub3A_323 : vector<16xf32>
        %mul3A_357 = arith.mulf %select_n3A_355, %mul3A_356 : vector<16xf32>
        %add3A_358 = arith.addf %scan3A_151, %mul3A_357 : vector<16xf32>
        %mul3A_359 = arith.constant 8 : i32
        %mul3A_360 = arith.muli %scan3A_147, %mul3A_359 : i32
        %add3A_361 = arith.constant 4 : i32
        %add3A_362 = arith.addi %mul3A_360, %add3A_361 : i32
        %mul3A_363 = arith.constant 16 : i32
        %mul3A_364 = arith.muli %add3A_362, %mul3A_363 : i32
        %get3A_365 = arith.constant 0 : i32
        %get3A_366 = arith.index_cast %get3A_365 : i32 to index
        %get3A_367 = arith.index_cast %mul3A_364 : i32 to index
        %get3A_368 = tpu.vector_load %arg5[%get3A_366, %get3A_367] {strides = array<i32>} : memref<2x4096xf32, #tpu.memory_space<vmem>>, vector<1x16xf32>,
        %get3A_369 = vector.shape_cast %get3A_368 : vector<1x16xf32> to vector<16xf32>
        %get3A_370 = arith.constant 0 : i32
        %get3A_371 = arith.index_cast %get3A_370 : i32 to index
        %get3A_372 = arith.index_cast %mul3A_364 : i32 to index
        %get3A_373 = tpu.vector_load %arg6[%get3A_371, %get3A_372] {strides = array<i32>} : memref<2x4096xf32, #tpu.memory_space<vmem>>, vector<1x16xf32>,
        %get3A_374 = vector.shape_cast %get3A_373 : vector<1x16xf32> to vector<16xf32>
        %sub3A_375 = arith.subf %get3A_369, %get3A_374 : vector<16xf32>
        %gt3A_376 = arith.constant 1.000000e+00 : f32
        %gt3A_377 = vector.broadcast %gt3A_376 : f32 to vector<16xf32>
        %gt3A_378 = arith.cmpf ogt, %get3A_374, %gt3A_377 : vector<16xf32>
        %gt3A_379 = arith.constant 2.000000e+00 : f32
        %gt3A_380 = vector.broadcast %gt3A_379 : f32 to vector<16xf32>
        %gt3A_381 = arith.cmpf ogt, %get3A_374, %gt3A_380 : vector<16xf32>
        %jit3A_382 = arith.constant 2.000000e+00 : f32
        %jit3A_383 = arith.constant 4.000000e+00 : f32
        %broadcast_in_dim3A_384 = vector.broadcast %jit3A_382 : f32 to vector<16xf32>
        %broadcast_in_dim3A_385 = vector.broadcast %jit3A_383 : f32 to vector<16xf32>
        %select_n3A_386 = arith.select %gt3A_381, %broadcast_in_dim3A_384, %broadcast_in_dim3A_385 : vector<16xi1>, vector<16xf32>
        %jit3A_387 = arith.constant 8.000000e+00 : f32
        %broadcast_in_dim3A_388 = vector.broadcast %jit3A_387 : f32 to vector<16xf32>
        %select_n3A_389 = arith.select %gt3A_378, %select_n3A_386, %broadcast_in_dim3A_388 : vector<16xi1>, vector<16xf32>
        %gt3A_390 = arith.constant -1.000000e+00 : f32
        %gt3A_391 = vector.broadcast %gt3A_390 : f32 to vector<16xf32>
        %gt3A_392 = arith.cmpf ogt, %get3A_374, %gt3A_391 : vector<16xf32>
        %gt3A_393 = arith.constant -2.000000e+00 : f32
        %gt3A_394 = vector.broadcast %gt3A_393 : f32 to vector<16xf32>
        %gt3A_395 = arith.cmpf ogt, %get3A_374, %gt3A_394 : vector<16xf32>
        %jit3A_396 = arith.constant 2.000000e+00 : f32
        %jit3A_397 = arith.constant 1.000000e+00 : f32
        %broadcast_in_dim3A_398 = vector.broadcast %jit3A_396 : f32 to vector<16xf32>
        %broadcast_in_dim3A_399 = vector.broadcast %jit3A_397 : f32 to vector<16xf32>
        %select_n3A_400 = arith.select %gt3A_395, %broadcast_in_dim3A_398, %broadcast_in_dim3A_399 : vector<16xi1>, vector<16xf32>
        %jit3A_401 = arith.constant 4.000000e+00 : f32
        %broadcast_in_dim3A_402 = vector.broadcast %jit3A_401 : f32 to vector<16xf32>
        %select_n3A_403 = arith.select %gt3A_392, %broadcast_in_dim3A_402, %select_n3A_400 : vector<16xi1>, vector<16xf32>
        %gt3A_404 = arith.constant 0.000000e+00 : f32
        %gt3A_405 = vector.broadcast %gt3A_404 : f32 to vector<16xf32>
        %gt3A_406 = arith.cmpf ogt, %get3A_374, %gt3A_405 : vector<16xf32>
        %select_n3A_407 = arith.select %gt3A_406, %select_n3A_389, %select_n3A_403 : vector<16xi1>, vector<16xf32>
        %mul3A_408 = arith.mulf %sub3A_375, %sub3A_375 : vector<16xf32>
        %mul3A_409 = arith.mulf %select_n3A_407, %mul3A_408 : vector<16xf32>
        %add3A_410 = arith.addf %scan3A_152, %mul3A_409 : vector<16xf32>
        %mul3A_411 = arith.constant 8 : i32
        %mul3A_412 = arith.muli %scan3A_147, %mul3A_411 : i32
        %add3A_413 = arith.constant 5 : i32
        %add3A_414 = arith.addi %mul3A_412, %add3A_413 : i32
        %mul3A_415 = arith.constant 16 : i32
        %mul3A_416 = arith.muli %add3A_414, %mul3A_415 : i32
        %get3A_417 = arith.constant 0 : i32
        %get3A_418 = arith.index_cast %get3A_417 : i32 to index
        %get3A_419 = arith.index_cast %mul3A_416 : i32 to index
        %get3A_420 = tpu.vector_load %arg5[%get3A_418, %get3A_419] {strides = array<i32>} : memref<2x4096xf32, #tpu.memory_space<vmem>>, vector<1x16xf32>,
        %get3A_421 = vector.shape_cast %get3A_420 : vector<1x16xf32> to vector<16xf32>
        %get3A_422 = arith.constant 0 : i32
        %get3A_423 = arith.index_cast %get3A_422 : i32 to index
        %get3A_424 = arith.index_cast %mul3A_416 : i32 to index
        %get3A_425 = tpu.vector_load %arg6[%get3A_423, %get3A_424] {strides = array<i32>} : memref<2x4096xf32, #tpu.memory_space<vmem>>, vector<1x16xf32>,
        %get3A_426 = vector.shape_cast %get3A_425 : vector<1x16xf32> to vector<16xf32>
        %sub3A_427 = arith.subf %get3A_421, %get3A_426 : vector<16xf32>
        %gt3A_428 = arith.constant 1.000000e+00 : f32
        %gt3A_429 = vector.broadcast %gt3A_428 : f32 to vector<16xf32>
        %gt3A_430 = arith.cmpf ogt, %get3A_426, %gt3A_429 : vector<16xf32>
        %gt3A_431 = arith.constant 2.000000e+00 : f32
        %gt3A_432 = vector.broadcast %gt3A_431 : f32 to vector<16xf32>
        %gt3A_433 = arith.cmpf ogt, %get3A_426, %gt3A_432 : vector<16xf32>
        %jit3A_434 = arith.constant 2.000000e+00 : f32
        %jit3A_435 = arith.constant 4.000000e+00 : f32
        %broadcast_in_dim3A_436 = vector.broadcast %jit3A_434 : f32 to vector<16xf32>
        %broadcast_in_dim3A_437 = vector.broadcast %jit3A_435 : f32 to vector<16xf32>
        %select_n3A_438 = arith.select %gt3A_433, %broadcast_in_dim3A_436, %broadcast_in_dim3A_437 : vector<16xi1>, vector<16xf32>
        %jit3A_439 = arith.constant 8.000000e+00 : f32
        %broadcast_in_dim3A_440 = vector.broadcast %jit3A_439 : f32 to vector<16xf32>
        %select_n3A_441 = arith.select %gt3A_430, %select_n3A_438, %broadcast_in_dim3A_440 : vector<16xi1>, vector<16xf32>
        %gt3A_442 = arith.constant -1.000000e+00 : f32
        %gt3A_443 = vector.broadcast %gt3A_442 : f32 to vector<16xf32>
        %gt3A_444 = arith.cmpf ogt, %get3A_426, %gt3A_443 : vector<16xf32>
        %gt3A_445 = arith.constant -2.000000e+00 : f32
        %gt3A_446 = vector.broadcast %gt3A_445 : f32 to vector<16xf32>
        %gt3A_447 = arith.cmpf ogt, %get3A_426, %gt3A_446 : vector<16xf32>
        %jit3A_448 = arith.constant 2.000000e+00 : f32
        %jit3A_449 = arith.constant 1.000000e+00 : f32
        %broadcast_in_dim3A_450 = vector.broadcast %jit3A_448 : f32 to vector<16xf32>
        %broadcast_in_dim3A_451 = vector.broadcast %jit3A_449 : f32 to vector<16xf32>
        %select_n3A_452 = arith.select %gt3A_447, %broadcast_in_dim3A_450, %broadcast_in_dim3A_451 : vector<16xi1>, vector<16xf32>
        %jit3A_453 = arith.constant 4.000000e+00 : f32
        %broadcast_in_dim3A_454 = vector.broadcast %jit3A_453 : f32 to vector<16xf32>
        %select_n3A_455 = arith.select %gt3A_444, %broadcast_in_dim3A_454, %select_n3A_452 : vector<16xi1>, vector<16xf32>
        %gt3A_456 = arith.constant 0.000000e+00 : f32
        %gt3A_457 = vector.broadcast %gt3A_456 : f32 to vector<16xf32>
        %gt3A_458 = arith.cmpf ogt, %get3A_426, %gt3A_457 : vector<16xf32>
        %select_n3A_459 = arith.select %gt3A_458, %select_n3A_441, %select_n3A_455 : vector<16xi1>, vector<16xf32>
        %mul3A_460 = arith.mulf %sub3A_427, %sub3A_427 : vector<16xf32>
        %mul3A_461 = arith.mulf %select_n3A_459, %mul3A_460 : vector<16xf32>
        %add3A_462 = arith.addf %scan3A_153, %mul3A_461 : vector<16xf32>
        %mul3A_463 = arith.constant 8 : i32
        %mul3A_464 = arith.muli %scan3A_147, %mul3A_463 : i32
        %add3A_465 = arith.constant 6 : i32
        %add3A_466 = arith.addi %mul3A_464, %add3A_465 : i32
        %mul3A_467 = arith.constant 16 : i32
        %mul3A_468 = arith.muli %add3A_466, %mul3A_467 : i32
        %get3A_469 = arith.constant 0 : i32
        %get3A_470 = arith.index_cast %get3A_469 : i32 to index
        %get3A_471 = arith.index_cast %mul3A_468 : i32 to index
        %get3A_472 = tpu.vector_load %arg5[%get3A_470, %get3A_471] {strides = array<i32>} : memref<2x4096xf32, #tpu.memory_space<vmem>>, vector<1x16xf32>,
        %get3A_473 = vector.shape_cast %get3A_472 : vector<1x16xf32> to vector<16xf32>
        %get3A_474 = arith.constant 0 : i32
        %get3A_475 = arith.index_cast %get3A_474 : i32 to index
        %get3A_476 = arith.index_cast %mul3A_468 : i32 to index
        %get3A_477 = tpu.vector_load %arg6[%get3A_475, %get3A_476] {strides = array<i32>} : memref<2x4096xf32, #tpu.memory_space<vmem>>, vector<1x16xf32>,
        %get3A_478 = vector.shape_cast %get3A_477 : vector<1x16xf32> to vector<16xf32>
        %sub3A_479 = arith.subf %get3A_473, %get3A_478 : vector<16xf32>
        %gt3A_480 = arith.constant 1.000000e+00 : f32
        %gt3A_481 = vector.broadcast %gt3A_480 : f32 to vector<16xf32>
        %gt3A_482 = arith.cmpf ogt, %get3A_478, %gt3A_481 : vector<16xf32>
        %gt3A_483 = arith.constant 2.000000e+00 : f32
        %gt3A_484 = vector.broadcast %gt3A_483 : f32 to vector<16xf32>
        %gt3A_485 = arith.cmpf ogt, %get3A_478, %gt3A_484 : vector<16xf32>
        %jit3A_486 = arith.constant 2.000000e+00 : f32
        %jit3A_487 = arith.constant 4.000000e+00 : f32
        %broadcast_in_dim3A_488 = vector.broadcast %jit3A_486 : f32 to vector<16xf32>
        %broadcast_in_dim3A_489 = vector.broadcast %jit3A_487 : f32 to vector<16xf32>
        %select_n3A_490 = arith.select %gt3A_485, %broadcast_in_dim3A_488, %broadcast_in_dim3A_489 : vector<16xi1>, vector<16xf32>
        %jit3A_491 = arith.constant 8.000000e+00 : f32
        %broadcast_in_dim3A_492 = vector.broadcast %jit3A_491 : f32 to vector<16xf32>
        %select_n3A_493 = arith.select %gt3A_482, %select_n3A_490, %broadcast_in_dim3A_492 : vector<16xi1>, vector<16xf32>
        %gt3A_494 = arith.constant -1.000000e+00 : f32
        %gt3A_495 = vector.broadcast %gt3A_494 : f32 to vector<16xf32>
        %gt3A_496 = arith.cmpf ogt, %get3A_478, %gt3A_495 : vector<16xf32>
        %gt3A_497 = arith.constant -2.000000e+00 : f32
        %gt3A_498 = vector.broadcast %gt3A_497 : f32 to vector<16xf32>
        %gt3A_499 = arith.cmpf ogt, %get3A_478, %gt3A_498 : vector<16xf32>
        %jit3A_500 = arith.constant 2.000000e+00 : f32
        %jit3A_501 = arith.constant 1.000000e+00 : f32
        %broadcast_in_dim3A_502 = vector.broadcast %jit3A_500 : f32 to vector<16xf32>
        %broadcast_in_dim3A_503 = vector.broadcast %jit3A_501 : f32 to vector<16xf32>
        %select_n3A_504 = arith.select %gt3A_499, %broadcast_in_dim3A_502, %broadcast_in_dim3A_503 : vector<16xi1>, vector<16xf32>
        %jit3A_505 = arith.constant 4.000000e+00 : f32
        %broadcast_in_dim3A_506 = vector.broadcast %jit3A_505 : f32 to vector<16xf32>
        %select_n3A_507 = arith.select %gt3A_496, %broadcast_in_dim3A_506, %select_n3A_504 : vector<16xi1>, vector<16xf32>
        %gt3A_508 = arith.constant 0.000000e+00 : f32
        %gt3A_509 = vector.broadcast %gt3A_508 : f32 to vector<16xf32>
        %gt3A_510 = arith.cmpf ogt, %get3A_478, %gt3A_509 : vector<16xf32>
        %select_n3A_511 = arith.select %gt3A_510, %select_n3A_493, %select_n3A_507 : vector<16xi1>, vector<16xf32>
        %mul3A_512 = arith.mulf %sub3A_479, %sub3A_479 : vector<16xf32>
        %mul3A_513 = arith.mulf %select_n3A_511, %mul3A_512 : vector<16xf32>
        %add3A_514 = arith.addf %scan3A_154, %mul3A_513 : vector<16xf32>
        %mul3A_515 = arith.constant 8 : i32
        %mul3A_516 = arith.muli %scan3A_147, %mul3A_515 : i32
        %add3A_517 = arith.constant 7 : i32
        %add3A_518 = arith.addi %mul3A_516, %add3A_517 : i32
        %mul3A_519 = arith.constant 16 : i32
        %mul3A_520 = arith.muli %add3A_518, %mul3A_519 : i32
        %get3A_521 = arith.constant 0 : i32
        %get3A_522 = arith.index_cast %get3A_521 : i32 to index
        %get3A_523 = arith.index_cast %mul3A_520 : i32 to index
        %get3A_524 = tpu.vector_load %arg5[%get3A_522, %get3A_523] {strides = array<i32>} : memref<2x4096xf32, #tpu.memory_space<vmem>>, vector<1x16xf32>,
        %get3A_525 = vector.shape_cast %get3A_524 : vector<1x16xf32> to vector<16xf32>
        %get3A_526 = arith.constant 0 : i32
        %get3A_527 = arith.index_cast %get3A_526 : i32 to index
        %get3A_528 = arith.index_cast %mul3A_520 : i32 to index
        %get3A_529 = tpu.vector_load %arg6[%get3A_527, %get3A_528] {strides = array<i32>} : memref<2x4096xf32, #tpu.memory_space<vmem>>, vector<1x16xf32>,
        %get3A_530 = vector.shape_cast %get3A_529 : vector<1x16xf32> to vector<16xf32>
        %sub3A_531 = arith.subf %get3A_525, %get3A_530 : vector<16xf32>
        %gt3A_532 = arith.constant 1.000000e+00 : f32
        %gt3A_533 = vector.broadcast %gt3A_532 : f32 to vector<16xf32>
        %gt3A_534 = arith.cmpf ogt, %get3A_530, %gt3A_533 : vector<16xf32>
        %gt3A_535 = arith.constant 2.000000e+00 : f32
        %gt3A_536 = vector.broadcast %gt3A_535 : f32 to vector<16xf32>
        %gt3A_537 = arith.cmpf ogt, %get3A_530, %gt3A_536 : vector<16xf32>
        %jit3A_538 = arith.constant 2.000000e+00 : f32
        %jit3A_539 = arith.constant 4.000000e+00 : f32
        %broadcast_in_dim3A_540 = vector.broadcast %jit3A_538 : f32 to vector<16xf32>
        %broadcast_in_dim3A_541 = vector.broadcast %jit3A_539 : f32 to vector<16xf32>
        %select_n3A_542 = arith.select %gt3A_537, %broadcast_in_dim3A_540, %broadcast_in_dim3A_541 : vector<16xi1>, vector<16xf32>
        %jit3A_543 = arith.constant 8.000000e+00 : f32
        %broadcast_in_dim3A_544 = vector.broadcast %jit3A_543 : f32 to vector<16xf32>
        %select_n3A_545 = arith.select %gt3A_534, %select_n3A_542, %broadcast_in_dim3A_544 : vector<16xi1>, vector<16xf32>
        %gt3A_546 = arith.constant -1.000000e+00 : f32
        %gt3A_547 = vector.broadcast %gt3A_546 : f32 to vector<16xf32>
        %gt3A_548 = arith.cmpf ogt, %get3A_530, %gt3A_547 : vector<16xf32>
        %gt3A_549 = arith.constant -2.000000e+00 : f32
        %gt3A_550 = vector.broadcast %gt3A_549 : f32 to vector<16xf32>
        %gt3A_551 = arith.cmpf ogt, %get3A_530, %gt3A_550 : vector<16xf32>
        %jit3A_552 = arith.constant 2.000000e+00 : f32
        %jit3A_553 = arith.constant 1.000000e+00 : f32
        %broadcast_in_dim3A_554 = vector.broadcast %jit3A_552 : f32 to vector<16xf32>
        %broadcast_in_dim3A_555 = vector.broadcast %jit3A_553 : f32 to vector<16xf32>
        %select_n3A_556 = arith.select %gt3A_551, %broadcast_in_dim3A_554, %broadcast_in_dim3A_555 : vector<16xi1>, vector<16xf32>
        %jit3A_557 = arith.constant 4.000000e+00 : f32
        %broadcast_in_dim3A_558 = vector.broadcast %jit3A_557 : f32 to vector<16xf32>
        %select_n3A_559 = arith.select %gt3A_548, %broadcast_in_dim3A_558, %select_n3A_556 : vector<16xi1>, vector<16xf32>
        %gt3A_560 = arith.constant 0.000000e+00 : f32
        %gt3A_561 = vector.broadcast %gt3A_560 : f32 to vector<16xf32>
        %gt3A_562 = arith.cmpf ogt, %get3A_530, %gt3A_561 : vector<16xf32>
        %select_n3A_563 = arith.select %gt3A_562, %select_n3A_545, %select_n3A_559 : vector<16xi1>, vector<16xf32>
        %mul3A_564 = arith.mulf %sub3A_531, %sub3A_531 : vector<16xf32>
        %mul3A_565 = arith.mulf %select_n3A_563, %mul3A_564 : vector<16xf32>
        %add3A_566 = arith.addf %scan3A_155, %mul3A_565 : vector<16xf32>
        scf.yield %add3A_202, %add3A_254, %add3A_306, %add3A_358, %add3A_410, %add3A_462, %add3A_514, %add3A_566 : vector<16xf32>, vector<16xf32>, vector<16xf32>, vector<16xf32>, vector<16xf32>, vector<16xf32>, vector<16xf32>, vector<16xf32>
      }
      %scan3A_103 = arith.constant 32 : i32
      %add3A_104 = arith.constant 2 : i32
      %add3A_105 = arith.addi %add3A_76, %add3A_104 : i32
      %lt3A = arith.constant 22 : i32
      %lt3A_106 = arith.cmpi slt, %add3A_105, %lt3A : i32
      %convert_element_type3A = arith.extui %lt3A_106 : i1 to i32
      %cond3A = arith.constant 0 : i32
      %cond3A_107 = arith.cmpi ne, %convert_element_type3A, %cond3A : i32
      scf.if %cond3A_107 {
        %add3A_147 = arith.constant 2 : i32
        %add3A_148 = arith.addi %add3A_76, %add3A_147 : i32
        %mul3A_149 = arith.constant 4096 : i32
        %mul3A_150 = arith.muli %add3A_148, %mul3A_149 : i32
        %add3A_151 = arith.addi %mul3A_2, %mul3A_150 : i32
        %dma_start3A_152 = arith.constant 0 : i32
        %dma_start3A_153 = arith.constant 0 : i32
        %dma_start3A_154 = tpu.memref_slice %arg5[%dma_start3A_152, %dma_start3A_153] : memref<2x4096xf32, #tpu.memory_space<vmem>> -> memref<1x4096xf32, #tpu.memory_space<vmem>>
        %dma_start3A_155 = tpu.memref_squeeze %dma_start3A_154 : memref<1x4096xf32, #tpu.memory_space<vmem>> -> memref<4096xf32, #tpu.memory_space<vmem>>
        %dma_start3A_156 = tpu.memref_slice %arg2[%add3A_151] : memref<8388608xf32, #tpu.memory_space<hbm>> -> memref<4096xf32, #tpu.memory_space<hbm>>
        %dma_start3A_157 = arith.constant 0 : i32
        %dma_start3A_158 = tpu.memref_slice %arg5[%dma_start3A_152, %dma_start3A_157] : memref<2x4096xf32, #tpu.memory_space<vmem>> -> memref<1x4096xf32, #tpu.memory_space<vmem>>
        %dma_start3A_159 = tpu.memref_squeeze %dma_start3A_158 : memref<1x4096xf32, #tpu.memory_space<vmem>> -> memref<4096xf32, #tpu.memory_space<vmem>>
        %dma_start3A_160 = tpu.memref_slice %arg2[%add3A_151] : memref<8388608xf32, #tpu.memory_space<hbm>> -> memref<4096xf32, #tpu.memory_space<hbm>>
        tpu.enqueue_dma source(%dma_start3A_160 : memref<4096xf32, #tpu.memory_space<hbm>>) target(%dma_start3A_159 : memref<4096xf32, #tpu.memory_space<vmem>>) target_semaphore(%arg8 : memref<!tpu.dma_semaphore, #tpu.memory_space<semaphore_mem>>)
        %mul3A_161 = arith.constant 4096 : i32
        %mul3A_162 = arith.muli %add3A_148, %mul3A_161 : i32
        %add3A_163 = arith.addi %mul3A_2, %mul3A_162 : i32
        %dma_start3A_164 = arith.constant 0 : i32
        %dma_start3A_165 = arith.constant 0 : i32
        %dma_start3A_166 = tpu.memref_slice %arg6[%dma_start3A_164, %dma_start3A_165] : memref<2x4096xf32, #tpu.memory_space<vmem>> -> memref<1x4096xf32, #tpu.memory_space<vmem>>
        %dma_start3A_167 = tpu.memref_squeeze %dma_start3A_166 : memref<1x4096xf32, #tpu.memory_space<vmem>> -> memref<4096xf32, #tpu.memory_space<vmem>>
        %dma_start3A_168 = tpu.memref_slice %arg3[%add3A_163] : memref<8388608xf32, #tpu.memory_space<hbm>> -> memref<4096xf32, #tpu.memory_space<hbm>>
        %dma_start3A_169 = arith.constant 0 : i32
        %dma_start3A_170 = tpu.memref_slice %arg6[%dma_start3A_164, %dma_start3A_169] : memref<2x4096xf32, #tpu.memory_space<vmem>> -> memref<1x4096xf32, #tpu.memory_space<vmem>>
        %dma_start3A_171 = tpu.memref_squeeze %dma_start3A_170 : memref<1x4096xf32, #tpu.memory_space<vmem>> -> memref<4096xf32, #tpu.memory_space<vmem>>
        %dma_start3A_172 = tpu.memref_slice %arg3[%add3A_163] : memref<8388608xf32, #tpu.memory_space<hbm>> -> memref<4096xf32, #tpu.memory_space<hbm>>
        tpu.enqueue_dma source(%dma_start3A_172 : memref<4096xf32, #tpu.memory_space<hbm>>) target(%dma_start3A_171 : memref<4096xf32, #tpu.memory_space<vmem>>) target_semaphore(%arg10 : memref<!tpu.dma_semaphore, #tpu.memory_space<semaphore_mem>>)
      } else {
      }
      %mul3A_108 = arith.constant 2 : i32
      %mul3A_109 = arith.muli %scan3A_64, %mul3A_108 : i32
      %add3A_110 = arith.constant 1 : i32
      %add3A_111 = arith.addi %mul3A_109, %add3A_110 : i32
      %dma_wait3A_112 = arith.constant 1 : i32
      %dma_wait3A_113 = arith.constant 0 : i32
      %dma_wait3A_114 = tpu.memref_slice %arg5[%dma_wait3A_112, %dma_wait3A_113] : memref<2x4096xf32, #tpu.memory_space<vmem>> -> memref<1x4096xf32, #tpu.memory_space<vmem>>
      %dma_wait3A_115 = tpu.memref_squeeze %dma_wait3A_114 : memref<1x4096xf32, #tpu.memory_space<vmem>> -> memref<4096xf32, #tpu.memory_space<vmem>>
      %dma_wait3A_116 = arith.constant 0 : i32
      %dma_wait3A_117 = tpu.memref_slice %arg2[%dma_wait3A_116] : memref<8388608xf32, #tpu.memory_space<hbm>> -> memref<4096xf32, #tpu.memory_space<hbm>>
      %dma_wait3A_118 = arith.constant 0 : i32
      %dma_wait3A_119 = tpu.memref_slice %arg5[%dma_wait3A_112, %dma_wait3A_118] : memref<2x4096xf32, #tpu.memory_space<vmem>> -> memref<1x4096xf32, #tpu.memory_space<vmem>>
      %dma_wait3A_120 = tpu.memref_squeeze %dma_wait3A_119 : memref<1x4096xf32, #tpu.memory_space<vmem>> -> memref<4096xf32, #tpu.memory_space<vmem>>
      %dma_wait3A_121 = arith.constant 0 : i32
      %dma_wait3A_122 = tpu.memref_slice %arg2[%dma_wait3A_121] : memref<8388608xf32, #tpu.memory_space<hbm>> -> memref<4096xf32, #tpu.memory_space<hbm>>
      tpu.wait_dma2 semaphore(%arg9 : memref<!tpu.dma_semaphore, #tpu.memory_space<semaphore_mem>>) src(%dma_wait3A_122 : memref<4096xf32, #tpu.memory_space<hbm>>) dst(%dma_wait3A_120 : memref<4096xf32, #tpu.memory_space<vmem>>)
      %dma_wait3A_123 = arith.constant 1 : i32
      %dma_wait3A_124 = arith.constant 0 : i32
      %dma_wait3A_125 = tpu.memref_slice %arg6[%dma_wait3A_123, %dma_wait3A_124] : memref<2x4096xf32, #tpu.memory_space<vmem>> -> memref<1x4096xf32, #tpu.memory_space<vmem>>
      %dma_wait3A_126 = tpu.memref_squeeze %dma_wait3A_125 : memref<1x4096xf32, #tpu.memory_space<vmem>> -> memref<4096xf32, #tpu.memory_space<vmem>>
      %dma_wait3A_127 = arith.constant 0 : i32
      %dma_wait3A_128 = tpu.memref_slice %arg3[%dma_wait3A_127] : memref<8388608xf32, #tpu.memory_space<hbm>> -> memref<4096xf32, #tpu.memory_space<hbm>>
      %dma_wait3A_129 = arith.constant 0 : i32
      %dma_wait3A_130 = tpu.memref_slice %arg6[%dma_wait3A_123, %dma_wait3A_129] : memref<2x4096xf32, #tpu.memory_space<vmem>> -> memref<1x4096xf32, #tpu.memory_space<vmem>>
      %dma_wait3A_131 = tpu.memref_squeeze %dma_wait3A_130 : memref<1x4096xf32, #tpu.memory_space<vmem>> -> memref<4096xf32, #tpu.memory_space<vmem>>
      %dma_wait3A_132 = arith.constant 0 : i32
      %dma_wait3A_133 = tpu.memref_slice %arg3[%dma_wait3A_132] : memref<8388608xf32, #tpu.memory_space<hbm>> -> memref<4096xf32, #tpu.memory_space<hbm>>
      tpu.wait_dma2 semaphore(%arg11 : memref<!tpu.dma_semaphore, #tpu.memory_space<semaphore_mem>>) src(%dma_wait3A_133 : memref<4096xf32, #tpu.memory_space<hbm>>) dst(%dma_wait3A_131 : memref<4096xf32, #tpu.memory_space<vmem>>)
      %scan3A_134 = arith.constant 0 : i32
      %scan3A_135 = arith.constant 32 : i32
      %scan3A_136 = arith.addi %scan3A_134, %scan3A_135 : i32
      %scan3A_137 = arith.constant 1 : i32
      %scan3A_138:8 = scf.for %scan3A_147 = %scan3A_134 to %scan3A_136 step %scan3A_137 iter_args(%scan3A_148 = %scan3A_102#0, %scan3A_149 = %scan3A_102#1, %scan3A_150 = %scan3A_102#2, %scan3A_151 = %scan3A_102#3, %scan3A_152 = %scan3A_102#4, %scan3A_153 = %scan3A_102#5, %scan3A_154 = %scan3A_102#6, %scan3A_155 = %scan3A_102#7) -> (vector<16xf32>, vector<16xf32>, vector<16xf32>, vector<16xf32>, vector<16xf32>, vector<16xf32>, vector<16xf32>, vector<16xf32>)  : i32 {
        %mul3A_156 = arith.constant 8 : i32
        %mul3A_157 = arith.muli %scan3A_147, %mul3A_156 : i32
        %add3A_158 = arith.constant 0 : i32
        %add3A_159 = arith.addi %mul3A_157, %add3A_158 : i32
        %mul3A_160 = arith.constant 16 : i32
        %mul3A_161 = arith.muli %add3A_159, %mul3A_160 : i32
        %get3A = arith.constant 1 : i32
        %get3A_162 = arith.index_cast %get3A : i32 to index
        %get3A_163 = arith.index_cast %mul3A_161 : i32 to index
        %get3A_164 = tpu.vector_load %arg5[%get3A_162, %get3A_163] {strides = array<i32>} : memref<2x4096xf32, #tpu.memory_space<vmem>>, vector<1x16xf32>,
        %get3A_165 = vector.shape_cast %get3A_164 : vector<1x16xf32> to vector<16xf32>
        %get3A_166 = arith.constant 1 : i32
        %get3A_167 = arith.index_cast %get3A_166 : i32 to index
        %get3A_168 = arith.index_cast %mul3A_161 : i32 to index
        %get3A_169 = tpu.vector_load %arg6[%get3A_167, %get3A_168] {strides = array<i32>} : memref<2x4096xf32, #tpu.memory_space<vmem>>, vector<1x16xf32>,
        %get3A_170 = vector.shape_cast %get3A_169 : vector<1x16xf32> to vector<16xf32>
        %sub3A = arith.subf %get3A_165, %get3A_170 : vector<16xf32>
        %gt3A = arith.constant 1.000000e+00 : f32
        %gt3A_171 = vector.broadcast %gt3A : f32 to vector<16xf32>
        %gt3A_172 = arith.cmpf ogt, %get3A_170, %gt3A_171 : vector<16xf32>
        %gt3A_173 = arith.constant 2.000000e+00 : f32
        %gt3A_174 = vector.broadcast %gt3A_173 : f32 to vector<16xf32>
        %gt3A_175 = arith.cmpf ogt, %get3A_170, %gt3A_174 : vector<16xf32>
        %jit3A = arith.constant 2.000000e+00 : f32
        %jit3A_176 = arith.constant 4.000000e+00 : f32
        %broadcast_in_dim3A_177 = vector.broadcast %jit3A : f32 to vector<16xf32>
        %broadcast_in_dim3A_178 = vector.broadcast %jit3A_176 : f32 to vector<16xf32>
        %select_n3A = arith.select %gt3A_175, %broadcast_in_dim3A_177, %broadcast_in_dim3A_178 : vector<16xi1>, vector<16xf32>
        %jit3A_179 = arith.constant 8.000000e+00 : f32
        %broadcast_in_dim3A_180 = vector.broadcast %jit3A_179 : f32 to vector<16xf32>
        %select_n3A_181 = arith.select %gt3A_172, %select_n3A, %broadcast_in_dim3A_180 : vector<16xi1>, vector<16xf32>
        %gt3A_182 = arith.constant -1.000000e+00 : f32
        %gt3A_183 = vector.broadcast %gt3A_182 : f32 to vector<16xf32>
        %gt3A_184 = arith.cmpf ogt, %get3A_170, %gt3A_183 : vector<16xf32>
        %gt3A_185 = arith.constant -2.000000e+00 : f32
        %gt3A_186 = vector.broadcast %gt3A_185 : f32 to vector<16xf32>
        %gt3A_187 = arith.cmpf ogt, %get3A_170, %gt3A_186 : vector<16xf32>
        %jit3A_188 = arith.constant 2.000000e+00 : f32
        %jit3A_189 = arith.constant 1.000000e+00 : f32
        %broadcast_in_dim3A_190 = vector.broadcast %jit3A_188 : f32 to vector<16xf32>
        %broadcast_in_dim3A_191 = vector.broadcast %jit3A_189 : f32 to vector<16xf32>
        %select_n3A_192 = arith.select %gt3A_187, %broadcast_in_dim3A_190, %broadcast_in_dim3A_191 : vector<16xi1>, vector<16xf32>
        %jit3A_193 = arith.constant 4.000000e+00 : f32
        %broadcast_in_dim3A_194 = vector.broadcast %jit3A_193 : f32 to vector<16xf32>
        %select_n3A_195 = arith.select %gt3A_184, %broadcast_in_dim3A_194, %select_n3A_192 : vector<16xi1>, vector<16xf32>
        %gt3A_196 = arith.constant 0.000000e+00 : f32
        %gt3A_197 = vector.broadcast %gt3A_196 : f32 to vector<16xf32>
        %gt3A_198 = arith.cmpf ogt, %get3A_170, %gt3A_197 : vector<16xf32>
        %select_n3A_199 = arith.select %gt3A_198, %select_n3A_181, %select_n3A_195 : vector<16xi1>, vector<16xf32>
        %mul3A_200 = arith.mulf %sub3A, %sub3A : vector<16xf32>
        %mul3A_201 = arith.mulf %select_n3A_199, %mul3A_200 : vector<16xf32>
        %add3A_202 = arith.addf %scan3A_148, %mul3A_201 : vector<16xf32>
        %mul3A_203 = arith.constant 8 : i32
        %mul3A_204 = arith.muli %scan3A_147, %mul3A_203 : i32
        %add3A_205 = arith.constant 1 : i32
        %add3A_206 = arith.addi %mul3A_204, %add3A_205 : i32
        %mul3A_207 = arith.constant 16 : i32
        %mul3A_208 = arith.muli %add3A_206, %mul3A_207 : i32
        %get3A_209 = arith.constant 1 : i32
        %get3A_210 = arith.index_cast %get3A_209 : i32 to index
        %get3A_211 = arith.index_cast %mul3A_208 : i32 to index
        %get3A_212 = tpu.vector_load %arg5[%get3A_210, %get3A_211] {strides = array<i32>} : memref<2x4096xf32, #tpu.memory_space<vmem>>, vector<1x16xf32>,
        %get3A_213 = vector.shape_cast %get3A_212 : vector<1x16xf32> to vector<16xf32>
        %get3A_214 = arith.constant 1 : i32
        %get3A_215 = arith.index_cast %get3A_214 : i32 to index
        %get3A_216 = arith.index_cast %mul3A_208 : i32 to index
        %get3A_217 = tpu.vector_load %arg6[%get3A_215, %get3A_216] {strides = array<i32>} : memref<2x4096xf32, #tpu.memory_space<vmem>>, vector<1x16xf32>,
        %get3A_218 = vector.shape_cast %get3A_217 : vector<1x16xf32> to vector<16xf32>
        %sub3A_219 = arith.subf %get3A_213, %get3A_218 : vector<16xf32>
        %gt3A_220 = arith.constant 1.000000e+00 : f32
        %gt3A_221 = vector.broadcast %gt3A_220 : f32 to vector<16xf32>
        %gt3A_222 = arith.cmpf ogt, %get3A_218, %gt3A_221 : vector<16xf32>
        %gt3A_223 = arith.constant 2.000000e+00 : f32
        %gt3A_224 = vector.broadcast %gt3A_223 : f32 to vector<16xf32>
        %gt3A_225 = arith.cmpf ogt, %get3A_218, %gt3A_224 : vector<16xf32>
        %jit3A_226 = arith.constant 2.000000e+00 : f32
        %jit3A_227 = arith.constant 4.000000e+00 : f32
        %broadcast_in_dim3A_228 = vector.broadcast %jit3A_226 : f32 to vector<16xf32>
        %broadcast_in_dim3A_229 = vector.broadcast %jit3A_227 : f32 to vector<16xf32>
        %select_n3A_230 = arith.select %gt3A_225, %broadcast_in_dim3A_228, %broadcast_in_dim3A_229 : vector<16xi1>, vector<16xf32>
        %jit3A_231 = arith.constant 8.000000e+00 : f32
        %broadcast_in_dim3A_232 = vector.broadcast %jit3A_231 : f32 to vector<16xf32>
        %select_n3A_233 = arith.select %gt3A_222, %select_n3A_230, %broadcast_in_dim3A_232 : vector<16xi1>, vector<16xf32>
        %gt3A_234 = arith.constant -1.000000e+00 : f32
        %gt3A_235 = vector.broadcast %gt3A_234 : f32 to vector<16xf32>
        %gt3A_236 = arith.cmpf ogt, %get3A_218, %gt3A_235 : vector<16xf32>
        %gt3A_237 = arith.constant -2.000000e+00 : f32
        %gt3A_238 = vector.broadcast %gt3A_237 : f32 to vector<16xf32>
        %gt3A_239 = arith.cmpf ogt, %get3A_218, %gt3A_238 : vector<16xf32>
        %jit3A_240 = arith.constant 2.000000e+00 : f32
        %jit3A_241 = arith.constant 1.000000e+00 : f32
        %broadcast_in_dim3A_242 = vector.broadcast %jit3A_240 : f32 to vector<16xf32>
        %broadcast_in_dim3A_243 = vector.broadcast %jit3A_241 : f32 to vector<16xf32>
        %select_n3A_244 = arith.select %gt3A_239, %broadcast_in_dim3A_242, %broadcast_in_dim3A_243 : vector<16xi1>, vector<16xf32>
        %jit3A_245 = arith.constant 4.000000e+00 : f32
        %broadcast_in_dim3A_246 = vector.broadcast %jit3A_245 : f32 to vector<16xf32>
        %select_n3A_247 = arith.select %gt3A_236, %broadcast_in_dim3A_246, %select_n3A_244 : vector<16xi1>, vector<16xf32>
        %gt3A_248 = arith.constant 0.000000e+00 : f32
        %gt3A_249 = vector.broadcast %gt3A_248 : f32 to vector<16xf32>
        %gt3A_250 = arith.cmpf ogt, %get3A_218, %gt3A_249 : vector<16xf32>
        %select_n3A_251 = arith.select %gt3A_250, %select_n3A_233, %select_n3A_247 : vector<16xi1>, vector<16xf32>
        %mul3A_252 = arith.mulf %sub3A_219, %sub3A_219 : vector<16xf32>
        %mul3A_253 = arith.mulf %select_n3A_251, %mul3A_252 : vector<16xf32>
        %add3A_254 = arith.addf %scan3A_149, %mul3A_253 : vector<16xf32>
        %mul3A_255 = arith.constant 8 : i32
        %mul3A_256 = arith.muli %scan3A_147, %mul3A_255 : i32
        %add3A_257 = arith.constant 2 : i32
        %add3A_258 = arith.addi %mul3A_256, %add3A_257 : i32
        %mul3A_259 = arith.constant 16 : i32
        %mul3A_260 = arith.muli %add3A_258, %mul3A_259 : i32
        %get3A_261 = arith.constant 1 : i32
        %get3A_262 = arith.index_cast %get3A_261 : i32 to index
        %get3A_263 = arith.index_cast %mul3A_260 : i32 to index
        %get3A_264 = tpu.vector_load %arg5[%get3A_262, %get3A_263] {strides = array<i32>} : memref<2x4096xf32, #tpu.memory_space<vmem>>, vector<1x16xf32>,
        %get3A_265 = vector.shape_cast %get3A_264 : vector<1x16xf32> to vector<16xf32>
        %get3A_266 = arith.constant 1 : i32
        %get3A_267 = arith.index_cast %get3A_266 : i32 to index
        %get3A_268 = arith.index_cast %mul3A_260 : i32 to index
        %get3A_269 = tpu.vector_load %arg6[%get3A_267, %get3A_268] {strides = array<i32>} : memref<2x4096xf32, #tpu.memory_space<vmem>>, vector<1x16xf32>,
        %get3A_270 = vector.shape_cast %get3A_269 : vector<1x16xf32> to vector<16xf32>
        %sub3A_271 = arith.subf %get3A_265, %get3A_270 : vector<16xf32>
        %gt3A_272 = arith.constant 1.000000e+00 : f32
        %gt3A_273 = vector.broadcast %gt3A_272 : f32 to vector<16xf32>
        %gt3A_274 = arith.cmpf ogt, %get3A_270, %gt3A_273 : vector<16xf32>
        %gt3A_275 = arith.constant 2.000000e+00 : f32
        %gt3A_276 = vector.broadcast %gt3A_275 : f32 to vector<16xf32>
        %gt3A_277 = arith.cmpf ogt, %get3A_270, %gt3A_276 : vector<16xf32>
        %jit3A_278 = arith.constant 2.000000e+00 : f32
        %jit3A_279 = arith.constant 4.000000e+00 : f32
        %broadcast_in_dim3A_280 = vector.broadcast %jit3A_278 : f32 to vector<16xf32>
        %broadcast_in_dim3A_281 = vector.broadcast %jit3A_279 : f32 to vector<16xf32>
        %select_n3A_282 = arith.select %gt3A_277, %broadcast_in_dim3A_280, %broadcast_in_dim3A_281 : vector<16xi1>, vector<16xf32>
        %jit3A_283 = arith.constant 8.000000e+00 : f32
        %broadcast_in_dim3A_284 = vector.broadcast %jit3A_283 : f32 to vector<16xf32>
        %select_n3A_285 = arith.select %gt3A_274, %select_n3A_282, %broadcast_in_dim3A_284 : vector<16xi1>, vector<16xf32>
        %gt3A_286 = arith.constant -1.000000e+00 : f32
        %gt3A_287 = vector.broadcast %gt3A_286 : f32 to vector<16xf32>
        %gt3A_288 = arith.cmpf ogt, %get3A_270, %gt3A_287 : vector<16xf32>
        %gt3A_289 = arith.constant -2.000000e+00 : f32
        %gt3A_290 = vector.broadcast %gt3A_289 : f32 to vector<16xf32>
        %gt3A_291 = arith.cmpf ogt, %get3A_270, %gt3A_290 : vector<16xf32>
        %jit3A_292 = arith.constant 2.000000e+00 : f32
        %jit3A_293 = arith.constant 1.000000e+00 : f32
        %broadcast_in_dim3A_294 = vector.broadcast %jit3A_292 : f32 to vector<16xf32>
        %broadcast_in_dim3A_295 = vector.broadcast %jit3A_293 : f32 to vector<16xf32>
        %select_n3A_296 = arith.select %gt3A_291, %broadcast_in_dim3A_294, %broadcast_in_dim3A_295 : vector<16xi1>, vector<16xf32>
        %jit3A_297 = arith.constant 4.000000e+00 : f32
        %broadcast_in_dim3A_298 = vector.broadcast %jit3A_297 : f32 to vector<16xf32>
        %select_n3A_299 = arith.select %gt3A_288, %broadcast_in_dim3A_298, %select_n3A_296 : vector<16xi1>, vector<16xf32>
        %gt3A_300 = arith.constant 0.000000e+00 : f32
        %gt3A_301 = vector.broadcast %gt3A_300 : f32 to vector<16xf32>
        %gt3A_302 = arith.cmpf ogt, %get3A_270, %gt3A_301 : vector<16xf32>
        %select_n3A_303 = arith.select %gt3A_302, %select_n3A_285, %select_n3A_299 : vector<16xi1>, vector<16xf32>
        %mul3A_304 = arith.mulf %sub3A_271, %sub3A_271 : vector<16xf32>
        %mul3A_305 = arith.mulf %select_n3A_303, %mul3A_304 : vector<16xf32>
        %add3A_306 = arith.addf %scan3A_150, %mul3A_305 : vector<16xf32>
        %mul3A_307 = arith.constant 8 : i32
        %mul3A_308 = arith.muli %scan3A_147, %mul3A_307 : i32
        %add3A_309 = arith.constant 3 : i32
        %add3A_310 = arith.addi %mul3A_308, %add3A_309 : i32
        %mul3A_311 = arith.constant 16 : i32
        %mul3A_312 = arith.muli %add3A_310, %mul3A_311 : i32
        %get3A_313 = arith.constant 1 : i32
        %get3A_314 = arith.index_cast %get3A_313 : i32 to index
        %get3A_315 = arith.index_cast %mul3A_312 : i32 to index
        %get3A_316 = tpu.vector_load %arg5[%get3A_314, %get3A_315] {strides = array<i32>} : memref<2x4096xf32, #tpu.memory_space<vmem>>, vector<1x16xf32>,
        %get3A_317 = vector.shape_cast %get3A_316 : vector<1x16xf32> to vector<16xf32>
        %get3A_318 = arith.constant 1 : i32
        %get3A_319 = arith.index_cast %get3A_318 : i32 to index
        %get3A_320 = arith.index_cast %mul3A_312 : i32 to index
        %get3A_321 = tpu.vector_load %arg6[%get3A_319, %get3A_320] {strides = array<i32>} : memref<2x4096xf32, #tpu.memory_space<vmem>>, vector<1x16xf32>,
        %get3A_322 = vector.shape_cast %get3A_321 : vector<1x16xf32> to vector<16xf32>
        %sub3A_323 = arith.subf %get3A_317, %get3A_322 : vector<16xf32>
        %gt3A_324 = arith.constant 1.000000e+00 : f32
        %gt3A_325 = vector.broadcast %gt3A_324 : f32 to vector<16xf32>
        %gt3A_326 = arith.cmpf ogt, %get3A_322, %gt3A_325 : vector<16xf32>
        %gt3A_327 = arith.constant 2.000000e+00 : f32
        %gt3A_328 = vector.broadcast %gt3A_327 : f32 to vector<16xf32>
        %gt3A_329 = arith.cmpf ogt, %get3A_322, %gt3A_328 : vector<16xf32>
        %jit3A_330 = arith.constant 2.000000e+00 : f32
        %jit3A_331 = arith.constant 4.000000e+00 : f32
        %broadcast_in_dim3A_332 = vector.broadcast %jit3A_330 : f32 to vector<16xf32>
        %broadcast_in_dim3A_333 = vector.broadcast %jit3A_331 : f32 to vector<16xf32>
        %select_n3A_334 = arith.select %gt3A_329, %broadcast_in_dim3A_332, %broadcast_in_dim3A_333 : vector<16xi1>, vector<16xf32>
        %jit3A_335 = arith.constant 8.000000e+00 : f32
        %broadcast_in_dim3A_336 = vector.broadcast %jit3A_335 : f32 to vector<16xf32>
        %select_n3A_337 = arith.select %gt3A_326, %select_n3A_334, %broadcast_in_dim3A_336 : vector<16xi1>, vector<16xf32>
        %gt3A_338 = arith.constant -1.000000e+00 : f32
        %gt3A_339 = vector.broadcast %gt3A_338 : f32 to vector<16xf32>
        %gt3A_340 = arith.cmpf ogt, %get3A_322, %gt3A_339 : vector<16xf32>
        %gt3A_341 = arith.constant -2.000000e+00 : f32
        %gt3A_342 = vector.broadcast %gt3A_341 : f32 to vector<16xf32>
        %gt3A_343 = arith.cmpf ogt, %get3A_322, %gt3A_342 : vector<16xf32>
        %jit3A_344 = arith.constant 2.000000e+00 : f32
        %jit3A_345 = arith.constant 1.000000e+00 : f32
        %broadcast_in_dim3A_346 = vector.broadcast %jit3A_344 : f32 to vector<16xf32>
        %broadcast_in_dim3A_347 = vector.broadcast %jit3A_345 : f32 to vector<16xf32>
        %select_n3A_348 = arith.select %gt3A_343, %broadcast_in_dim3A_346, %broadcast_in_dim3A_347 : vector<16xi1>, vector<16xf32>
        %jit3A_349 = arith.constant 4.000000e+00 : f32
        %broadcast_in_dim3A_350 = vector.broadcast %jit3A_349 : f32 to vector<16xf32>
        %select_n3A_351 = arith.select %gt3A_340, %broadcast_in_dim3A_350, %select_n3A_348 : vector<16xi1>, vector<16xf32>
        %gt3A_352 = arith.constant 0.000000e+00 : f32
        %gt3A_353 = vector.broadcast %gt3A_352 : f32 to vector<16xf32>
        %gt3A_354 = arith.cmpf ogt, %get3A_322, %gt3A_353 : vector<16xf32>
        %select_n3A_355 = arith.select %gt3A_354, %select_n3A_337, %select_n3A_351 : vector<16xi1>, vector<16xf32>
        %mul3A_356 = arith.mulf %sub3A_323, %sub3A_323 : vector<16xf32>
        %mul3A_357 = arith.mulf %select_n3A_355, %mul3A_356 : vector<16xf32>
        %add3A_358 = arith.addf %scan3A_151, %mul3A_357 : vector<16xf32>
        %mul3A_359 = arith.constant 8 : i32
        %mul3A_360 = arith.muli %scan3A_147, %mul3A_359 : i32
        %add3A_361 = arith.constant 4 : i32
        %add3A_362 = arith.addi %mul3A_360, %add3A_361 : i32
        %mul3A_363 = arith.constant 16 : i32
        %mul3A_364 = arith.muli %add3A_362, %mul3A_363 : i32
        %get3A_365 = arith.constant 1 : i32
        %get3A_366 = arith.index_cast %get3A_365 : i32 to index
        %get3A_367 = arith.index_cast %mul3A_364 : i32 to index
        %get3A_368 = tpu.vector_load %arg5[%get3A_366, %get3A_367] {strides = array<i32>} : memref<2x4096xf32, #tpu.memory_space<vmem>>, vector<1x16xf32>,
        %get3A_369 = vector.shape_cast %get3A_368 : vector<1x16xf32> to vector<16xf32>
        %get3A_370 = arith.constant 1 : i32
        %get3A_371 = arith.index_cast %get3A_370 : i32 to index
        %get3A_372 = arith.index_cast %mul3A_364 : i32 to index
        %get3A_373 = tpu.vector_load %arg6[%get3A_371, %get3A_372] {strides = array<i32>} : memref<2x4096xf32, #tpu.memory_space<vmem>>, vector<1x16xf32>,
        %get3A_374 = vector.shape_cast %get3A_373 : vector<1x16xf32> to vector<16xf32>
        %sub3A_375 = arith.subf %get3A_369, %get3A_374 : vector<16xf32>
        %gt3A_376 = arith.constant 1.000000e+00 : f32
        %gt3A_377 = vector.broadcast %gt3A_376 : f32 to vector<16xf32>
        %gt3A_378 = arith.cmpf ogt, %get3A_374, %gt3A_377 : vector<16xf32>
        %gt3A_379 = arith.constant 2.000000e+00 : f32
        %gt3A_380 = vector.broadcast %gt3A_379 : f32 to vector<16xf32>
        %gt3A_381 = arith.cmpf ogt, %get3A_374, %gt3A_380 : vector<16xf32>
        %jit3A_382 = arith.constant 2.000000e+00 : f32
        %jit3A_383 = arith.constant 4.000000e+00 : f32
        %broadcast_in_dim3A_384 = vector.broadcast %jit3A_382 : f32 to vector<16xf32>
        %broadcast_in_dim3A_385 = vector.broadcast %jit3A_383 : f32 to vector<16xf32>
        %select_n3A_386 = arith.select %gt3A_381, %broadcast_in_dim3A_384, %broadcast_in_dim3A_385 : vector<16xi1>, vector<16xf32>
        %jit3A_387 = arith.constant 8.000000e+00 : f32
        %broadcast_in_dim3A_388 = vector.broadcast %jit3A_387 : f32 to vector<16xf32>
        %select_n3A_389 = arith.select %gt3A_378, %select_n3A_386, %broadcast_in_dim3A_388 : vector<16xi1>, vector<16xf32>
        %gt3A_390 = arith.constant -1.000000e+00 : f32
        %gt3A_391 = vector.broadcast %gt3A_390 : f32 to vector<16xf32>
        %gt3A_392 = arith.cmpf ogt, %get3A_374, %gt3A_391 : vector<16xf32>
        %gt3A_393 = arith.constant -2.000000e+00 : f32
        %gt3A_394 = vector.broadcast %gt3A_393 : f32 to vector<16xf32>
        %gt3A_395 = arith.cmpf ogt, %get3A_374, %gt3A_394 : vector<16xf32>
        %jit3A_396 = arith.constant 2.000000e+00 : f32
        %jit3A_397 = arith.constant 1.000000e+00 : f32
        %broadcast_in_dim3A_398 = vector.broadcast %jit3A_396 : f32 to vector<16xf32>
        %broadcast_in_dim3A_399 = vector.broadcast %jit3A_397 : f32 to vector<16xf32>
        %select_n3A_400 = arith.select %gt3A_395, %broadcast_in_dim3A_398, %broadcast_in_dim3A_399 : vector<16xi1>, vector<16xf32>
        %jit3A_401 = arith.constant 4.000000e+00 : f32
        %broadcast_in_dim3A_402 = vector.broadcast %jit3A_401 : f32 to vector<16xf32>
        %select_n3A_403 = arith.select %gt3A_392, %broadcast_in_dim3A_402, %select_n3A_400 : vector<16xi1>, vector<16xf32>
        %gt3A_404 = arith.constant 0.000000e+00 : f32
        %gt3A_405 = vector.broadcast %gt3A_404 : f32 to vector<16xf32>
        %gt3A_406 = arith.cmpf ogt, %get3A_374, %gt3A_405 : vector<16xf32>
        %select_n3A_407 = arith.select %gt3A_406, %select_n3A_389, %select_n3A_403 : vector<16xi1>, vector<16xf32>
        %mul3A_408 = arith.mulf %sub3A_375, %sub3A_375 : vector<16xf32>
        %mul3A_409 = arith.mulf %select_n3A_407, %mul3A_408 : vector<16xf32>
        %add3A_410 = arith.addf %scan3A_152, %mul3A_409 : vector<16xf32>
        %mul3A_411 = arith.constant 8 : i32
        %mul3A_412 = arith.muli %scan3A_147, %mul3A_411 : i32
        %add3A_413 = arith.constant 5 : i32
        %add3A_414 = arith.addi %mul3A_412, %add3A_413 : i32
        %mul3A_415 = arith.constant 16 : i32
        %mul3A_416 = arith.muli %add3A_414, %mul3A_415 : i32
        %get3A_417 = arith.constant 1 : i32
        %get3A_418 = arith.index_cast %get3A_417 : i32 to index
        %get3A_419 = arith.index_cast %mul3A_416 : i32 to index
        %get3A_420 = tpu.vector_load %arg5[%get3A_418, %get3A_419] {strides = array<i32>} : memref<2x4096xf32, #tpu.memory_space<vmem>>, vector<1x16xf32>,
        %get3A_421 = vector.shape_cast %get3A_420 : vector<1x16xf32> to vector<16xf32>
        %get3A_422 = arith.constant 1 : i32
        %get3A_423 = arith.index_cast %get3A_422 : i32 to index
        %get3A_424 = arith.index_cast %mul3A_416 : i32 to index
        %get3A_425 = tpu.vector_load %arg6[%get3A_423, %get3A_424] {strides = array<i32>} : memref<2x4096xf32, #tpu.memory_space<vmem>>, vector<1x16xf32>,
        %get3A_426 = vector.shape_cast %get3A_425 : vector<1x16xf32> to vector<16xf32>
        %sub3A_427 = arith.subf %get3A_421, %get3A_426 : vector<16xf32>
        %gt3A_428 = arith.constant 1.000000e+00 : f32
        %gt3A_429 = vector.broadcast %gt3A_428 : f32 to vector<16xf32>
        %gt3A_430 = arith.cmpf ogt, %get3A_426, %gt3A_429 : vector<16xf32>
        %gt3A_431 = arith.constant 2.000000e+00 : f32
        %gt3A_432 = vector.broadcast %gt3A_431 : f32 to vector<16xf32>
        %gt3A_433 = arith.cmpf ogt, %get3A_426, %gt3A_432 : vector<16xf32>
        %jit3A_434 = arith.constant 2.000000e+00 : f32
        %jit3A_435 = arith.constant 4.000000e+00 : f32
        %broadcast_in_dim3A_436 = vector.broadcast %jit3A_434 : f32 to vector<16xf32>
        %broadcast_in_dim3A_437 = vector.broadcast %jit3A_435 : f32 to vector<16xf32>
        %select_n3A_438 = arith.select %gt3A_433, %broadcast_in_dim3A_436, %broadcast_in_dim3A_437 : vector<16xi1>, vector<16xf32>
        %jit3A_439 = arith.constant 8.000000e+00 : f32
        %broadcast_in_dim3A_440 = vector.broadcast %jit3A_439 : f32 to vector<16xf32>
        %select_n3A_441 = arith.select %gt3A_430, %select_n3A_438, %broadcast_in_dim3A_440 : vector<16xi1>, vector<16xf32>
        %gt3A_442 = arith.constant -1.000000e+00 : f32
        %gt3A_443 = vector.broadcast %gt3A_442 : f32 to vector<16xf32>
        %gt3A_444 = arith.cmpf ogt, %get3A_426, %gt3A_443 : vector<16xf32>
        %gt3A_445 = arith.constant -2.000000e+00 : f32
        %gt3A_446 = vector.broadcast %gt3A_445 : f32 to vector<16xf32>
        %gt3A_447 = arith.cmpf ogt, %get3A_426, %gt3A_446 : vector<16xf32>
        %jit3A_448 = arith.constant 2.000000e+00 : f32
        %jit3A_449 = arith.constant 1.000000e+00 : f32
        %broadcast_in_dim3A_450 = vector.broadcast %jit3A_448 : f32 to vector<16xf32>
        %broadcast_in_dim3A_451 = vector.broadcast %jit3A_449 : f32 to vector<16xf32>
        %select_n3A_452 = arith.select %gt3A_447, %broadcast_in_dim3A_450, %broadcast_in_dim3A_451 : vector<16xi1>, vector<16xf32>
        %jit3A_453 = arith.constant 4.000000e+00 : f32
        %broadcast_in_dim3A_454 = vector.broadcast %jit3A_453 : f32 to vector<16xf32>
        %select_n3A_455 = arith.select %gt3A_444, %broadcast_in_dim3A_454, %select_n3A_452 : vector<16xi1>, vector<16xf32>
        %gt3A_456 = arith.constant 0.000000e+00 : f32
        %gt3A_457 = vector.broadcast %gt3A_456 : f32 to vector<16xf32>
        %gt3A_458 = arith.cmpf ogt, %get3A_426, %gt3A_457 : vector<16xf32>
        %select_n3A_459 = arith.select %gt3A_458, %select_n3A_441, %select_n3A_455 : vector<16xi1>, vector<16xf32>
        %mul3A_460 = arith.mulf %sub3A_427, %sub3A_427 : vector<16xf32>
        %mul3A_461 = arith.mulf %select_n3A_459, %mul3A_460 : vector<16xf32>
        %add3A_462 = arith.addf %scan3A_153, %mul3A_461 : vector<16xf32>
        %mul3A_463 = arith.constant 8 : i32
        %mul3A_464 = arith.muli %scan3A_147, %mul3A_463 : i32
        %add3A_465 = arith.constant 6 : i32
        %add3A_466 = arith.addi %mul3A_464, %add3A_465 : i32
        %mul3A_467 = arith.constant 16 : i32
        %mul3A_468 = arith.muli %add3A_466, %mul3A_467 : i32
        %get3A_469 = arith.constant 1 : i32
        %get3A_470 = arith.index_cast %get3A_469 : i32 to index
        %get3A_471 = arith.index_cast %mul3A_468 : i32 to index
        %get3A_472 = tpu.vector_load %arg5[%get3A_470, %get3A_471] {strides = array<i32>} : memref<2x4096xf32, #tpu.memory_space<vmem>>, vector<1x16xf32>,
        %get3A_473 = vector.shape_cast %get3A_472 : vector<1x16xf32> to vector<16xf32>
        %get3A_474 = arith.constant 1 : i32
        %get3A_475 = arith.index_cast %get3A_474 : i32 to index
        %get3A_476 = arith.index_cast %mul3A_468 : i32 to index
        %get3A_477 = tpu.vector_load %arg6[%get3A_475, %get3A_476] {strides = array<i32>} : memref<2x4096xf32, #tpu.memory_space<vmem>>, vector<1x16xf32>,
        %get3A_478 = vector.shape_cast %get3A_477 : vector<1x16xf32> to vector<16xf32>
        %sub3A_479 = arith.subf %get3A_473, %get3A_478 : vector<16xf32>
        %gt3A_480 = arith.constant 1.000000e+00 : f32
        %gt3A_481 = vector.broadcast %gt3A_480 : f32 to vector<16xf32>
        %gt3A_482 = arith.cmpf ogt, %get3A_478, %gt3A_481 : vector<16xf32>
        %gt3A_483 = arith.constant 2.000000e+00 : f32
        %gt3A_484 = vector.broadcast %gt3A_483 : f32 to vector<16xf32>
        %gt3A_485 = arith.cmpf ogt, %get3A_478, %gt3A_484 : vector<16xf32>
        %jit3A_486 = arith.constant 2.000000e+00 : f32
        %jit3A_487 = arith.constant 4.000000e+00 : f32
        %broadcast_in_dim3A_488 = vector.broadcast %jit3A_486 : f32 to vector<16xf32>
        %broadcast_in_dim3A_489 = vector.broadcast %jit3A_487 : f32 to vector<16xf32>
        %select_n3A_490 = arith.select %gt3A_485, %broadcast_in_dim3A_488, %broadcast_in_dim3A_489 : vector<16xi1>, vector<16xf32>
        %jit3A_491 = arith.constant 8.000000e+00 : f32
        %broadcast_in_dim3A_492 = vector.broadcast %jit3A_491 : f32 to vector<16xf32>
        %select_n3A_493 = arith.select %gt3A_482, %select_n3A_490, %broadcast_in_dim3A_492 : vector<16xi1>, vector<16xf32>
        %gt3A_494 = arith.constant -1.000000e+00 : f32
        %gt3A_495 = vector.broadcast %gt3A_494 : f32 to vector<16xf32>
        %gt3A_496 = arith.cmpf ogt, %get3A_478, %gt3A_495 : vector<16xf32>
        %gt3A_497 = arith.constant -2.000000e+00 : f32
        %gt3A_498 = vector.broadcast %gt3A_497 : f32 to vector<16xf32>
        %gt3A_499 = arith.cmpf ogt, %get3A_478, %gt3A_498 : vector<16xf32>
        %jit3A_500 = arith.constant 2.000000e+00 : f32
        %jit3A_501 = arith.constant 1.000000e+00 : f32
        %broadcast_in_dim3A_502 = vector.broadcast %jit3A_500 : f32 to vector<16xf32>
        %broadcast_in_dim3A_503 = vector.broadcast %jit3A_501 : f32 to vector<16xf32>
        %select_n3A_504 = arith.select %gt3A_499, %broadcast_in_dim3A_502, %broadcast_in_dim3A_503 : vector<16xi1>, vector<16xf32>
        %jit3A_505 = arith.constant 4.000000e+00 : f32
        %broadcast_in_dim3A_506 = vector.broadcast %jit3A_505 : f32 to vector<16xf32>
        %select_n3A_507 = arith.select %gt3A_496, %broadcast_in_dim3A_506, %select_n3A_504 : vector<16xi1>, vector<16xf32>
        %gt3A_508 = arith.constant 0.000000e+00 : f32
        %gt3A_509 = vector.broadcast %gt3A_508 : f32 to vector<16xf32>
        %gt3A_510 = arith.cmpf ogt, %get3A_478, %gt3A_509 : vector<16xf32>
        %select_n3A_511 = arith.select %gt3A_510, %select_n3A_493, %select_n3A_507 : vector<16xi1>, vector<16xf32>
        %mul3A_512 = arith.mulf %sub3A_479, %sub3A_479 : vector<16xf32>
        %mul3A_513 = arith.mulf %select_n3A_511, %mul3A_512 : vector<16xf32>
        %add3A_514 = arith.addf %scan3A_154, %mul3A_513 : vector<16xf32>
        %mul3A_515 = arith.constant 8 : i32
        %mul3A_516 = arith.muli %scan3A_147, %mul3A_515 : i32
        %add3A_517 = arith.constant 7 : i32
        %add3A_518 = arith.addi %mul3A_516, %add3A_517 : i32
        %mul3A_519 = arith.constant 16 : i32
        %mul3A_520 = arith.muli %add3A_518, %mul3A_519 : i32
        %get3A_521 = arith.constant 1 : i32
        %get3A_522 = arith.index_cast %get3A_521 : i32 to index
        %get3A_523 = arith.index_cast %mul3A_520 : i32 to index
        %get3A_524 = tpu.vector_load %arg5[%get3A_522, %get3A_523] {strides = array<i32>} : memref<2x4096xf32, #tpu.memory_space<vmem>>, vector<1x16xf32>,
        %get3A_525 = vector.shape_cast %get3A_524 : vector<1x16xf32> to vector<16xf32>
        %get3A_526 = arith.constant 1 : i32
        %get3A_527 = arith.index_cast %get3A_526 : i32 to index
        %get3A_528 = arith.index_cast %mul3A_520 : i32 to index
        %get3A_529 = tpu.vector_load %arg6[%get3A_527, %get3A_528] {strides = array<i32>} : memref<2x4096xf32, #tpu.memory_space<vmem>>, vector<1x16xf32>,
        %get3A_530 = vector.shape_cast %get3A_529 : vector<1x16xf32> to vector<16xf32>
        %sub3A_531 = arith.subf %get3A_525, %get3A_530 : vector<16xf32>
        %gt3A_532 = arith.constant 1.000000e+00 : f32
        %gt3A_533 = vector.broadcast %gt3A_532 : f32 to vector<16xf32>
        %gt3A_534 = arith.cmpf ogt, %get3A_530, %gt3A_533 : vector<16xf32>
        %gt3A_535 = arith.constant 2.000000e+00 : f32
        %gt3A_536 = vector.broadcast %gt3A_535 : f32 to vector<16xf32>
        %gt3A_537 = arith.cmpf ogt, %get3A_530, %gt3A_536 : vector<16xf32>
        %jit3A_538 = arith.constant 2.000000e+00 : f32
        %jit3A_539 = arith.constant 4.000000e+00 : f32
        %broadcast_in_dim3A_540 = vector.broadcast %jit3A_538 : f32 to vector<16xf32>
        %broadcast_in_dim3A_541 = vector.broadcast %jit3A_539 : f32 to vector<16xf32>
        %select_n3A_542 = arith.select %gt3A_537, %broadcast_in_dim3A_540, %broadcast_in_dim3A_541 : vector<16xi1>, vector<16xf32>
        %jit3A_543 = arith.constant 8.000000e+00 : f32
        %broadcast_in_dim3A_544 = vector.broadcast %jit3A_543 : f32 to vector<16xf32>
        %select_n3A_545 = arith.select %gt3A_534, %select_n3A_542, %broadcast_in_dim3A_544 : vector<16xi1>, vector<16xf32>
        %gt3A_546 = arith.constant -1.000000e+00 : f32
        %gt3A_547 = vector.broadcast %gt3A_546 : f32 to vector<16xf32>
        %gt3A_548 = arith.cmpf ogt, %get3A_530, %gt3A_547 : vector<16xf32>
        %gt3A_549 = arith.constant -2.000000e+00 : f32
        %gt3A_550 = vector.broadcast %gt3A_549 : f32 to vector<16xf32>
        %gt3A_551 = arith.cmpf ogt, %get3A_530, %gt3A_550 : vector<16xf32>
        %jit3A_552 = arith.constant 2.000000e+00 : f32
        %jit3A_553 = arith.constant 1.000000e+00 : f32
        %broadcast_in_dim3A_554 = vector.broadcast %jit3A_552 : f32 to vector<16xf32>
        %broadcast_in_dim3A_555 = vector.broadcast %jit3A_553 : f32 to vector<16xf32>
        %select_n3A_556 = arith.select %gt3A_551, %broadcast_in_dim3A_554, %broadcast_in_dim3A_555 : vector<16xi1>, vector<16xf32>
        %jit3A_557 = arith.constant 4.000000e+00 : f32
        %broadcast_in_dim3A_558 = vector.broadcast %jit3A_557 : f32 to vector<16xf32>
        %select_n3A_559 = arith.select %gt3A_548, %broadcast_in_dim3A_558, %select_n3A_556 : vector<16xi1>, vector<16xf32>
        %gt3A_560 = arith.constant 0.000000e+00 : f32
        %gt3A_561 = vector.broadcast %gt3A_560 : f32 to vector<16xf32>
        %gt3A_562 = arith.cmpf ogt, %get3A_530, %gt3A_561 : vector<16xf32>
        %select_n3A_563 = arith.select %gt3A_562, %select_n3A_545, %select_n3A_559 : vector<16xi1>, vector<16xf32>
        %mul3A_564 = arith.mulf %sub3A_531, %sub3A_531 : vector<16xf32>
        %mul3A_565 = arith.mulf %select_n3A_563, %mul3A_564 : vector<16xf32>
        %add3A_566 = arith.addf %scan3A_155, %mul3A_565 : vector<16xf32>
        scf.yield %add3A_202, %add3A_254, %add3A_306, %add3A_358, %add3A_410, %add3A_462, %add3A_514, %add3A_566 : vector<16xf32>, vector<16xf32>, vector<16xf32>, vector<16xf32>, vector<16xf32>, vector<16xf32>, vector<16xf32>, vector<16xf32>
      }
      %scan3A_139 = arith.constant 32 : i32
      %add3A_140 = arith.constant 2 : i32
      %add3A_141 = arith.addi %add3A_111, %add3A_140 : i32
      %lt3A_142 = arith.constant 22 : i32
      %lt3A_143 = arith.cmpi slt, %add3A_141, %lt3A_142 : i32
      %convert_element_type3A_144 = arith.extui %lt3A_143 : i1 to i32
      %cond3A_145 = arith.constant 0 : i32
      %cond3A_146 = arith.cmpi ne, %convert_element_type3A_144, %cond3A_145 : i32
      scf.if %cond3A_146 {
        %add3A_147 = arith.constant 2 : i32
        %add3A_148 = arith.addi %add3A_111, %add3A_147 : i32
        %mul3A_149 = arith.constant 4096 : i32
        %mul3A_150 = arith.muli %add3A_148, %mul3A_149 : i32
        %add3A_151 = arith.addi %mul3A_2, %mul3A_150 : i32
        %dma_start3A_152 = arith.constant 1 : i32
        %dma_start3A_153 = arith.constant 0 : i32
        %dma_start3A_154 = tpu.memref_slice %arg5[%dma_start3A_152, %dma_start3A_153] : memref<2x4096xf32, #tpu.memory_space<vmem>> -> memref<1x4096xf32, #tpu.memory_space<vmem>>
        %dma_start3A_155 = tpu.memref_squeeze %dma_start3A_154 : memref<1x4096xf32, #tpu.memory_space<vmem>> -> memref<4096xf32, #tpu.memory_space<vmem>>
        %dma_start3A_156 = tpu.memref_slice %arg2[%add3A_151] : memref<8388608xf32, #tpu.memory_space<hbm>> -> memref<4096xf32, #tpu.memory_space<hbm>>
        %dma_start3A_157 = arith.constant 0 : i32
        %dma_start3A_158 = tpu.memref_slice %arg5[%dma_start3A_152, %dma_start3A_157] : memref<2x4096xf32, #tpu.memory_space<vmem>> -> memref<1x4096xf32, #tpu.memory_space<vmem>>
        %dma_start3A_159 = tpu.memref_squeeze %dma_start3A_158 : memref<1x4096xf32, #tpu.memory_space<vmem>> -> memref<4096xf32, #tpu.memory_space<vmem>>
        %dma_start3A_160 = tpu.memref_slice %arg2[%add3A_151] : memref<8388608xf32, #tpu.memory_space<hbm>> -> memref<4096xf32, #tpu.memory_space<hbm>>
        tpu.enqueue_dma source(%dma_start3A_160 : memref<4096xf32, #tpu.memory_space<hbm>>) target(%dma_start3A_159 : memref<4096xf32, #tpu.memory_space<vmem>>) target_semaphore(%arg9 : memref<!tpu.dma_semaphore, #tpu.memory_space<semaphore_mem>>)
        %mul3A_161 = arith.constant 4096 : i32
        %mul3A_162 = arith.muli %add3A_148, %mul3A_161 : i32
        %add3A_163 = arith.addi %mul3A_2, %mul3A_162 : i32
        %dma_start3A_164 = arith.constant 1 : i32
        %dma_start3A_165 = arith.constant 0 : i32
        %dma_start3A_166 = tpu.memref_slice %arg6[%dma_start3A_164, %dma_start3A_165] : memref<2x4096xf32, #tpu.memory_space<vmem>> -> memref<1x4096xf32, #tpu.memory_space<vmem>>
        %dma_start3A_167 = tpu.memref_squeeze %dma_start3A_166 : memref<1x4096xf32, #tpu.memory_space<vmem>> -> memref<4096xf32, #tpu.memory_space<vmem>>
        %dma_start3A_168 = tpu.memref_slice %arg3[%add3A_163] : memref<8388608xf32, #tpu.memory_space<hbm>> -> memref<4096xf32, #tpu.memory_space<hbm>>
        %dma_start3A_169 = arith.constant 0 : i32
        %dma_start3A_170 = tpu.memref_slice %arg6[%dma_start3A_164, %dma_start3A_169] : memref<2x4096xf32, #tpu.memory_space<vmem>> -> memref<1x4096xf32, #tpu.memory_space<vmem>>
        %dma_start3A_171 = tpu.memref_squeeze %dma_start3A_170 : memref<1x4096xf32, #tpu.memory_space<vmem>> -> memref<4096xf32, #tpu.memory_space<vmem>>
        %dma_start3A_172 = tpu.memref_slice %arg3[%add3A_163] : memref<8388608xf32, #tpu.memory_space<hbm>> -> memref<4096xf32, #tpu.memory_space<hbm>>
        tpu.enqueue_dma source(%dma_start3A_172 : memref<4096xf32, #tpu.memory_space<hbm>>) target(%dma_start3A_171 : memref<4096xf32, #tpu.memory_space<vmem>>) target_semaphore(%arg11 : memref<!tpu.dma_semaphore, #tpu.memory_space<semaphore_mem>>)
      } else {
      }
      scf.yield %scan3A_138#0, %scan3A_138#1, %scan3A_138#2, %scan3A_138#3, %scan3A_138#4, %scan3A_138#5, %scan3A_138#6, %scan3A_138#7 : vector<16xf32>, vector<16xf32>, vector<16xf32>, vector<16xf32>, vector<16xf32>, vector<16xf32>, vector<16xf32>, vector<16xf32>
    }
    %scan3A_51 = arith.constant 11 : i32
    %add3A_52 = arith.addf %scan3A_50#0, %scan3A_50#1 : vector<16xf32>
    %add3A_53 = arith.addf %add3A_52, %scan3A_50#2 : vector<16xf32>
    %add3A_54 = arith.addf %add3A_53, %scan3A_50#3 : vector<16xf32>
    %add3A_55 = arith.addf %add3A_54, %scan3A_50#4 : vector<16xf32>
    %add3A_56 = arith.addf %add3A_55, %scan3A_50#5 : vector<16xf32>
    %add3A_57 = arith.addf %add3A_56, %scan3A_50#6 : vector<16xf32>
    %add3A_58 = arith.addf %add3A_57, %scan3A_50#7 : vector<16xf32>
    %swap3A = arith.constant 0 : index
    %swap3A_59 = tpu.vector_load %arg7[%swap3A] {strides = array<i32>} : memref<16xf32, #tpu.memory_space<vmem>>, vector<16xf32>,
    %swap3A_60 = vector.shape_cast %swap3A_59 : vector<16xf32> to vector<16xf32>
    %swap3A_61 = vector.shape_cast %add3A_58 : vector<16xf32> to vector<16xf32>
    tpu.vector_store %arg7[%swap3A], %swap3A_61 {strides = array<i32>} : memref<16xf32, #tpu.memory_space<vmem>>, vector<16xf32>,
    %mul3A_62 = arith.constant 16 : i32
    %mul3A_63 = arith.muli %add3A, %mul3A_62 : i32
    "tpu.region"() ({
      %run_scoped3A = tpu.sem_alloc : memref<!tpu.dma_semaphore, #tpu.memory_space<semaphore_mem>>
      %dma_start3A_64 = tpu.memref_slice %arg4[%mul3A_63] : memref<512xf32, #tpu.memory_space<hbm>> -> memref<16xf32, #tpu.memory_space<hbm>>
      %dma_start3A_65 = tpu.memref_slice %arg4[%mul3A_63] : memref<512xf32, #tpu.memory_space<hbm>> -> memref<16xf32, #tpu.memory_space<hbm>>
      tpu.enqueue_dma source(%arg7 : memref<16xf32, #tpu.memory_space<vmem>>) target(%dma_start3A_65 : memref<16xf32, #tpu.memory_space<hbm>>) target_semaphore(%run_scoped3A : memref<!tpu.dma_semaphore, #tpu.memory_space<semaphore_mem>>)
      %dma_wait3A = tpu.memref_slice %arg4[%mul3A_63] : memref<512xf32, #tpu.memory_space<hbm>> -> memref<16xf32, #tpu.memory_space<hbm>>
      %dma_wait3A_66 = tpu.memref_slice %arg4[%mul3A_63] : memref<512xf32, #tpu.memory_space<hbm>> -> memref<16xf32, #tpu.memory_space<hbm>>
      tpu.wait_dma2 semaphore(%run_scoped3A : memref<!tpu.dma_semaphore, #tpu.memory_space<semaphore_mem>>) src(%arg7 : memref<16xf32, #tpu.memory_space<vmem>>) dst(%dma_wait3A_66 : memref<16xf32, #tpu.memory_space<hbm>>)
      tpu.yield
    }) : () -> ()
    return
  }
}

module attributes {stable_mosaic.version = 14 : i64} {
  func.func @body(%arg0: i32, %arg1: memref<2048x128xf32, #tpu.memory_space<vmem>>, %arg2: memref<2048x128xf32, #tpu.memory_space<vmem>>, %arg3: memref<8x128xf32, #tpu.memory_space<vmem>>, %arg4: memref<2048x128xf32, #tpu.memory_space<vmem>>) attributes {dimension_semantics = [#tpu.dimension_semantics<arbitrary>], iteration_bounds = array<i64: 21>, scalar_prefetch = 0 : i64, scratch_operands = 1 : i64, tpu.core_type = #tpu.core_type<tc>, window_params = [{transform_indices = @transform_0, window_bounds = array<i64: 2048, 128>}, {transform_indices = @transform_1, window_bounds = array<i64: 2048, 128>}, {pipeline_mode = #tpu.pipeline_mode<synchronous>, transform_indices = @transform_2, window_bounds = array<i64: 8, 128>}]} {
    %eq3A = arith.constant 0 : i32
    %eq3A_0 = arith.cmpi eq, %arg0, %eq3A : i32
    %convert_element_type3A = arith.extui %eq3A_0 : i1 to i32
    %cond3A = arith.constant 0 : i32
    %cond3A_1 = arith.cmpi ne, %convert_element_type3A, %cond3A : i32
    scf.if %cond3A_1 {
      %broadcast_in_dim3A_46 = arith.constant 0.000000e+00 : f32
      %broadcast_in_dim3A_47 = vector.broadcast %broadcast_in_dim3A_46 : f32 to vector<2048x128xf32>
      %swap3A_48 = arith.constant 0 : index
      %swap3A_49 = arith.constant 0 : index
      %swap3A_50 = vector.load %arg4[%swap3A_48, %swap3A_49] : memref<2048x128xf32, #tpu.memory_space<vmem>>, vector<2048x128xf32>
      tpu.vector_store %arg4[%swap3A_48, %swap3A_49], %broadcast_in_dim3A_47 {strides = array<i32>} : memref<2048x128xf32, #tpu.memory_space<vmem>>, vector<2048x128xf32>,
    } else {
    }
    %get3A = arith.constant 0 : index
    %get3A_2 = arith.constant 0 : index
    %get3A_3 = vector.load %arg1[%get3A, %get3A_2] : memref<2048x128xf32, #tpu.memory_space<vmem>>, vector<2048x128xf32>
    %get3A_4 = arith.constant 0 : index
    %get3A_5 = arith.constant 0 : index
    %get3A_6 = vector.load %arg2[%get3A_4, %get3A_5] : memref<2048x128xf32, #tpu.memory_space<vmem>>, vector<2048x128xf32>
    %sub3A = arith.subf %get3A_3, %get3A_6 : vector<2048x128xf32>
    %get3A_7 = arith.constant 0 : index
    %get3A_8 = arith.constant 0 : index
    %get3A_9 = vector.load %arg4[%get3A_7, %get3A_8] : memref<2048x128xf32, #tpu.memory_space<vmem>>, vector<2048x128xf32>
    %gt3A = arith.constant 1.000000e+00 : f32
    %gt3A_10 = vector.broadcast %gt3A : f32 to vector<2048x128xf32>
    %gt3A_11 = arith.cmpf ogt, %get3A_6, %gt3A_10 : vector<2048x128xf32>
    %gt3A_12 = arith.constant 2.000000e+00 : f32
    %gt3A_13 = vector.broadcast %gt3A_12 : f32 to vector<2048x128xf32>
    %gt3A_14 = arith.cmpf ogt, %get3A_6, %gt3A_13 : vector<2048x128xf32>
    %jit3A = arith.constant 2.000000e+00 : f32
    %jit3A_15 = arith.constant 4.000000e+00 : f32
    %broadcast_in_dim3A = vector.broadcast %jit3A : f32 to vector<2048x128xf32>
    %broadcast_in_dim3A_16 = vector.broadcast %jit3A_15 : f32 to vector<2048x128xf32>
    %select_n3A = arith.select %gt3A_14, %broadcast_in_dim3A, %broadcast_in_dim3A_16 : vector<2048x128xi1>, vector<2048x128xf32>
    %jit3A_17 = arith.constant 8.000000e+00 : f32
    %broadcast_in_dim3A_18 = vector.broadcast %jit3A_17 : f32 to vector<2048x128xf32>
    %select_n3A_19 = arith.select %gt3A_11, %select_n3A, %broadcast_in_dim3A_18 : vector<2048x128xi1>, vector<2048x128xf32>
    %gt3A_20 = arith.constant -1.000000e+00 : f32
    %gt3A_21 = vector.broadcast %gt3A_20 : f32 to vector<2048x128xf32>
    %gt3A_22 = arith.cmpf ogt, %get3A_6, %gt3A_21 : vector<2048x128xf32>
    %gt3A_23 = arith.constant -2.000000e+00 : f32
    %gt3A_24 = vector.broadcast %gt3A_23 : f32 to vector<2048x128xf32>
    %gt3A_25 = arith.cmpf ogt, %get3A_6, %gt3A_24 : vector<2048x128xf32>
    %jit3A_26 = arith.constant 2.000000e+00 : f32
    %jit3A_27 = arith.constant 1.000000e+00 : f32
    %broadcast_in_dim3A_28 = vector.broadcast %jit3A_26 : f32 to vector<2048x128xf32>
    %broadcast_in_dim3A_29 = vector.broadcast %jit3A_27 : f32 to vector<2048x128xf32>
    %select_n3A_30 = arith.select %gt3A_25, %broadcast_in_dim3A_28, %broadcast_in_dim3A_29 : vector<2048x128xi1>, vector<2048x128xf32>
    %jit3A_31 = arith.constant 4.000000e+00 : f32
    %broadcast_in_dim3A_32 = vector.broadcast %jit3A_31 : f32 to vector<2048x128xf32>
    %select_n3A_33 = arith.select %gt3A_22, %broadcast_in_dim3A_32, %select_n3A_30 : vector<2048x128xi1>, vector<2048x128xf32>
    %gt3A_34 = arith.constant 0.000000e+00 : f32
    %gt3A_35 = vector.broadcast %gt3A_34 : f32 to vector<2048x128xf32>
    %gt3A_36 = arith.cmpf ogt, %get3A_6, %gt3A_35 : vector<2048x128xf32>
    %select_n3A_37 = arith.select %gt3A_36, %select_n3A_19, %select_n3A_33 : vector<2048x128xi1>, vector<2048x128xf32>
    %mul3A = arith.mulf %sub3A, %sub3A : vector<2048x128xf32>
    %mul3A_38 = arith.mulf %select_n3A_37, %mul3A : vector<2048x128xf32>
    %add3A = arith.addf %get3A_9, %mul3A_38 : vector<2048x128xf32>
    %swap3A = arith.constant 0 : index
    %swap3A_39 = arith.constant 0 : index
    %swap3A_40 = vector.load %arg4[%swap3A, %swap3A_39] : memref<2048x128xf32, #tpu.memory_space<vmem>>, vector<2048x128xf32>
    tpu.vector_store %arg4[%swap3A, %swap3A_39], %add3A {strides = array<i32>} : memref<2048x128xf32, #tpu.memory_space<vmem>>, vector<2048x128xf32>,
    %eq3A_41 = arith.constant 20 : i32
    %eq3A_42 = arith.cmpi eq, %arg0, %eq3A_41 : i32
    %convert_element_type3A_43 = arith.extui %eq3A_42 : i1 to i32
    %cond3A_44 = arith.constant 0 : i32
    %cond3A_45 = arith.cmpi ne, %convert_element_type3A_43, %cond3A_44 : i32
    scf.if %cond3A_45 {
      %get3A_46 = arith.constant 0 : index
      %get3A_47 = arith.constant 0 : index
      %get3A_48 = vector.load %arg4[%get3A_46, %get3A_47] : memref<2048x128xf32, #tpu.memory_space<vmem>>, vector<2048x128xf32>
      %reshape3A = vector.shape_cast %get3A_48 : vector<2048x128xf32> to vector<256x8x128xf32>
      %reduce_sum3A = arith.constant dense<0.000000e+00> : vector<8x128xf32>
      %reduce_sum3A_49 = vector.multi_reduction <add>, %reshape3A, %reduce_sum3A [0] : vector<256x8x128xf32> to vector<8x128xf32>
      %swap3A_50 = arith.constant 0 : index
      %swap3A_51 = arith.constant 0 : index
      %swap3A_52 = vector.load %arg3[%swap3A_50, %swap3A_51] : memref<8x128xf32, #tpu.memory_space<vmem>>, vector<8x128xf32>
      tpu.vector_store %arg3[%swap3A_50, %swap3A_51], %reduce_sum3A_49 {strides = array<i32>} : memref<8x128xf32, #tpu.memory_space<vmem>>, vector<8x128xf32>,
    } else {
    }
    return
  }
  func.func @transform_0(%arg0: i32) -> (i32, i32) {
    %add3A = arith.constant 11 : i32
    %add3A_0 = arith.addi %add3A, %arg0 : i32
    %c0_i32 = arith.constant 0 : i32
    %c0_i32_1 = arith.constant 0 : i32
    return %add3A_0, %c0_i32 : i32, i32
  }
  func.func @transform_1(%arg0: i32) -> (i32, i32) {
    %add3A = arith.constant 11 : i32
    %add3A_0 = arith.addi %add3A, %arg0 : i32
    %c0_i32 = arith.constant 0 : i32
    %c0_i32_1 = arith.constant 0 : i32
    return %add3A_0, %c0_i32 : i32, i32
  }
  func.func @transform_2(%arg0: i32) -> (i32, i32) {
    %c0_i32 = arith.constant 0 : i32
    %c0_i32_0 = arith.constant 0 : i32
    %c0_i32_1 = arith.constant 0 : i32
    return %c0_i32, %c0_i32_0 : i32, i32
  }
}

</mosaic_0001>

<sc_bundles>
// kernel: kernel.4.cloned.1.call-start
scs
__scs_entry_jumppad:
0x0: {  	(pc) =	sbr.rel $0x88, $3  }
0x1: {  	(tag) =	ssettag $0x0;
	lr =	simm.s32 $0x1  }
0x2: {  	[smem:$0x3F9F] =	sst lr;
	_ =	strace $0xD0000000  }
0x3: {  	_ = 	snop  }
0x4: {  	_ = 	snop  }
0x5: {  	_ = 	snop  }
0x6: {  	_ = 	snop  }
0x7: {  	_ = 	snop  }
__scs_overlays_trampoline_lowered:
0x8: {  	[smem:$0x3FAE] =	sst s0  }
0x9: {  	[smem:$0x3FAF] =	sst s1  }
0xa: {  	[smem:$0x3FB0] =	sst s2  }
0xb: {  	[smem:$0x3FB1] =	sst s3  }
0xc: {  	[smem:$0x3FB2] =	sst s4  }
0xd: {  	[smem:$0x3FB3] =	sst s5  }
0xe: {  	[smem:$0x3FB4] =	sst s6  }
0xf: {  	[smem:$0x3FB5] =	sst s7  }
0x10: {  	[smem:$0x3FB6] =	sst s8  }
0x11: {  	[smem:$0x3FB7] =	sst s9;
	s0 =	simm.s32 @!p0 $0x0  }
0x12: {  	s1 =	sld [smem:$0x3F9D];
	s0 =	simm.s32 @p0 $0x1  }
0x13: {  	[smem:$0x3FB8] =	sst s0;
	s0 =	simm.s32 @!p1 $0x0  }
0x14: {  	s2 =	sld [smem:$0x3F9C];
	s0 =	simm.s32 @p1 $0x1  }
0x15: {  	[smem:$0x3FB9] =	sst s0;
	s0 =	simm.s32 @!p2 $0x0  }
0x16: {  	s3 =	sld [smem:$0x3FDB];
	s0 =	simm.s32 @p2 $0x1  }
0x17: {  	s4 =	simm.s32 $0x1BF5;
	[smem:$0x3FBB] =	sst s0  }
0x18: {  	s0 =	sld [smem:$0x3F9E];
	_ =	swait.ge [sflag:s4], $0x0  }
0x19: {  	s7 =	sld [smem:$0x3F9F]  }
0x1a: {  	s8 =	sadd.s32 $0xFFFFE003, lr  }
0x1b: {  	s9 =	sadd.s32 $0xFFFFFEF7, lr;
	s5 =	simm.s32 $0xFFFFFFFF;
	p2 =	slt.u32 s8, $0xFFFFF086  }
0x1c: {  	p1 =	slt.u32 s9, $0xF7A;
	s5 =	simm.s32 @!p2 $0x0  }
0x1d: {  	s5 =	simm.s32 @p1 $0x1;
	p0 =	seq.s32 s7, s2  }
0x1e: {  	s7 =	smul.u32 @!p0 $0xF7A, s2;
	p2 =	seq.s32 @!p0 s5, $0x0  }
0x1f: {  	s9 =	smul.u32 $0xF7A, s1;
	s8 =	simm.s32 @!p0 $0x1BF5;
	p2 =	por !p2, p0  }
0x20: {  	[sflag:s8] =	ssyncset.s32 @!p0 $0xFFFFF086;
	s6 =	sadd.s32 @!p0 s3, s7;
	s7 =	simm.s32 @!p0 $0x108  }
0x21: {  	s3 =	sadd.s32 s3, s9;
	s6 =	sadd.s32 @!p0 $0x88, s6;
	s7 =	simm.s32 @p2 $0x1082  }
0x22: {  	[simem:s7], [sflag:s8] =	dma.local @!p0 [hbm:s6], $0xF7A  }
0x23: {  	s9 =	sor.u32 $0xD0000000, s2;
	s6 =	simm.s32 $0x108;
	_ =	swait.ge @!p0 [sflag:s8], $0x0  }
0x24: {  	s3 =	sadd.s32 $0x88, s3;
	s6 =	simm.s32 @!p1 $0x1082;
	[sflag:s4] =	ssyncset.s32 $0xFFFFF086  }
0x25: {  	[simem:s6], [sflag:s4] =	dma.local [hbm:s3], $0xF7A  }
0x26: {  	[smem:$0x3F9F] =	sst s1;
	(tag) =	ssettag s2;
	_ =	strace s9  }
0x27: {  	s1 =	sld [smem:$0x3FAF]  }
0x28: {  	s2 =	sld [smem:$0x3FB0]  }
0x29: {  	s4 =	sld [smem:$0x3FB2]  }
0x2a: {  	p0 =	seq.s32 s5, $0x0;
	s5 =	sld [smem:$0x3FB3]  }
0x2b: {  	s6 =	sld [smem:$0x3FB4]  }
0x2c: {  	s7 =	sld [smem:$0x3FB5]  }
0x2d: {  	s3 =	simm.s32 $0x108;
	s8 =	sld [smem:$0x3FB6]  }
0x2e: {  	s3 =	simm.s32 @!p0 $0x1082;
	s9 =	sld [smem:$0x3FB7]  }
0x2f: {  	lr =	sadd.s32 s0, s3;
	s0 =	sld [smem:$0x3FAE]  }
0x30: {  	s3 =	sld [smem:$0x3FB1]  }
0x31: {  	[smem:$0x3FBA] =	sst s10  }
0x32: {  	s10 =	sld [smem:$0x3FB8];
	_ =	sdelay $0x3  }
0x33: {  	p0 =	seq.s32 s10, $0x1;
	s10 =	sld [smem:$0x3FBA];
	_ =	sdelay $0x3  }
0x34: {  	[smem:$0x3FBA] =	sst s10  }
0x35: {  	s10 =	sld [smem:$0x3FB9];
	_ =	sdelay $0x3  }
0x36: {  	p1 =	seq.s32 s10, $0x1;
	s10 =	sld [smem:$0x3FBA];
	_ =	sdelay $0x3  }
0x37: {  	[smem:$0x3FBA] =	sst s10  }
0x38: {  	s10 =	sld [smem:$0x3FBB]  }
0x39: {  	_ = 	snop;
	(pc) =	sbr.ind lr, $3  }
0x3a: {  	_ = 	snop  }
0x3b: {  	_ = 	snop  }
0x3c: {  	p2 =	seq.s32 s10, $0x1;
	s10 =	sld [smem:$0x3FBA]  }
0x3d: {  	_ =	shalt  }
0x3e: {  	_ =	shalt  }
0x3f: {  	_ =	shalt  }
0x40: {  	_ =	shalt  }
0x41: {  	_ =	shalt  }
0x42: {  	_ =	shalt  }
0x43: {  	_ =	shalt  }
0x44: {  	_ =	shalt  }
0x45: {  	_ =	shalt  }
0x46: {  	_ =	shalt  }
0x47: {  	_ =	shalt  }
0x48: {  	_ =	shalt  }
0x49: {  	_ =	shalt  }
0x4a: {  	_ =	shalt  }
0x4b: {  	_ =	shalt  }
0x4c: {  	_ =	shalt  }
0x4d: {  	_ =	shalt  }
0x4e: {  	_ =	shalt  }
0x4f: {  	_ =	shalt  }
0x50: {  	_ =	shalt  }
0x51: {  	_ =	shalt  }
0x52: {  	_ =	shalt  }
0x53: {  	_ =	shalt  }
0x54: {  	_ =	shalt  }
0x55: {  	_ =	shalt  }
0x56: {  	_ =	shalt  }
0x57: {  	_ =	shalt  }
0x58: {  	_ =	shalt  }
0x59: {  	_ =	shalt  }
0x5a: {  	_ =	shalt  }
0x5b: {  	_ =	shalt  }
0x5c: {  	_ =	shalt  }
0x5d: {  	_ =	shalt  }
0x5e: {  	_ =	shalt  }
0x5f: {  	_ =	shalt  }
0x60: {  	_ =	shalt  }
0x61: {  	_ =	shalt  }
0x62: {  	_ =	shalt  }
0x63: {  	_ =	shalt  }
0x64: {  	_ =	shalt  }
0x65: {  	_ =	shalt  }
0x66: {  	_ =	shalt  }
0x67: {  	_ =	shalt  }
0x68: {  	_ =	shalt  }
0x69: {  	_ =	shalt  }
0x6a: {  	_ =	shalt  }
0x6b: {  	_ =	shalt  }
0x6c: {  	_ =	shalt  }
0x6d: {  	_ =	shalt  }
0x6e: {  	_ =	shalt  }
0x6f: {  	_ =	shalt  }
0x70: {  	_ =	shalt  }
0x71: {  	_ =	shalt  }
0x72: {  	_ =	shalt  }
0x73: {  	_ =	shalt  }
0x74: {  	_ =	shalt  }
0x75: {  	_ =	shalt  }
0x76: {  	_ =	shalt  }
0x77: {  	_ =	shalt  }
0x78: {  	_ =	shalt  }
0x79: {  	_ =	shalt  }
0x7a: {  	_ =	shalt  }
0x7b: {  	_ =	shalt  }
0x7c: {  	_ =	shalt  }
0x7d: {  	_ =	shalt  }
0x7e: {  	_ =	shalt  }
0x7f: {  	_ =	shalt  }
0x80: {  	_ =	shalt  }
0x81: {  	_ =	shalt  }
0x82: {  	_ =	shalt  }
0x83: {  	_ =	shalt  }
0x84: {  	_ =	shalt  }
0x85: {  	_ =	shalt  }
0x86: {  	_ =	shalt  }
0x87: {  	_ =	shalt  }
.Lfunc_end0:
.L_simem_size_0:
called_computation_lowered:
.L_overlay_start_0:
0x88: {  	s2 =	sld [smem:$0x3FD9]  }
0x89: {  	s3 =	sld [smem:$0x3FFE];
	_ =	sdelay $0x1  }
0x8a: {  	s1 =	srdreg.scid  }
0x8b: {  	s0 =	sand.u32 $0x1, s1  }
0x8c: {  	s17 =	sshll.u32 s0, $0xA;
	s2 =	sadd.s32 s3, s2  }
0x8d: {  	s2 =	sadd.s32 s2, s17  }
0x8e: {  	[smem:$0x3FC6] =	sst s2  }
0x8f: {  	_ = 	snop  }
0x90: {  	s2 =	sld [smem:$0x3FC9]  }
0x91: {  	s18 =	sld [smem:$0x3FC8];
	(tm) =	ssettm $0x1  }
0x92: {  	s4 =	sld [smem:$0x3FFB];
	_ =	sdelay $0x3  }
0x93: {  	_ =	strace s4  }
0x94: {  	s4 =	sld [smem:$0x3FFC];
	_ =	sdelay $0x3  }
0x95: {  	_ =	strace s4  }
0x96: {  	s4 =	sld [smem:$0x3FFD];
	_ =	sdelay $0x3  }
0x97: {  	_ =	strace s4  }
0x98: {  	_ =	strace $0x8FFFFFFF  }
0x99: {  	s19 =	sld [smem:$0x3FDB];
	_ =	sdelay $0x1  }
0x9a: {  	s5 =	simm.s32 $_scs_section_size  }
0x9b: {  	s6 =	simm.s32 $_size__tile_overlayer_lowered;
	s7 =	simm.s32 $_tile_overlayer_lowered  }
0x9c: {  	s22 =	simm.s32 $0x1BFF;
	s21 =	sshll.u32 s7, $0x1;
	s4 =	sadd.s32 s5, s19  }
0x9d: {  	s8 =	simm.s32 $0x0;
	s20 =	sshll.u32 s6, $0x1;
	s6 =	sadd.s32 s21, s4  }
0x9e: {  	[timem:s8], [sflag:s22] =	dma.local [hbm:s6], s20  }
0x9f: {  	_ =	swait.ge [sflag:s22], s20  }
0xa0: {  	s5 =	ssub.s32 $0x0, s20;
	[sflag:s22] =	ssyncset.done $0x0  }
0xa1: {  	[sflag:s22] =	ssyncadd.s32 s5;
	_ =	sdelay $0x1  }
0xa2: {  	s23 =	simm.s32 $0x1B8B  }
0xa3: {  	_ =	swait.ge [sflag:s23], $0x1  }
0xa4: {  	[sflag:s23] =	ssyncset.done $0x0  }
0xa5: {  	s25 =	simm.s32 $0x1B8E;
	s24 =	sld [smem:$0x3FFE];
	[sflag:s23] =	ssyncadd.s32 $0xFFFFFFFF  }
0xa6: {  	s26 =	simm.s32 $execute0_lowered;
	[smem:$0x3FD2] =	sst s25  }
0xa7: {  	s6 =	sshll.u32 s26, $0x1;
	_ =	strace $0x80000046;
	[dreg:$0x1] =	wrdreg $0xFFFFFFFF  }
0xa8: {  	s28 =	simm.s32 $_size_execute0_lowered;
	s4 =	sadd.s32 s4, s6;
	[dreg:$0x0] =	wrdreg $0x0  }
0xa9: {  	s6 =	sshll.u32 s28, $0x1;
	[dreg:$0x2] =	wrdreg s4  }
0xaa: {  	[dreg:$0x3] =	wrdreg s6  }
0xab: {  	[dreg:$0x4] =	wrdreg $0xC0  }
0xac: {  	_ =	task [dreg:s8], $0x5FFFF  }
0xad: {  	[dreg:$0x1] =	wrdreg $0xFFFFFFFF  }
0xae: {  	[dreg:$0x0] =	wrdreg $0x60  }
0xaf: {  	[dreg:$0x2] =	wrdreg s2  }
0xb0: {  	[dreg:$0x3] =	wrdreg s18  }
0xb1: {  	[dreg:$0x4] =	wrdreg s24  }
0xb2: {  	[dreg:$0x5] =	wrdreg $0x9  }
0xb3: {  	_ =	task.clear_ibuf [dreg:s8], $0x6FFFF;
	_ =	strace $0x90000046  }
0xb4: {  	s29 =	simm.s32 $0x9;
	_ =	strace $0x80000048  }
0xb5: {  	_ =	swait.ge [sflag:s29], $0x1  }
0xb6: {  	[sflag:s29] =	ssyncadd.s32 $0xFFFFFFFF  }
0xb7: {  	_ =	strace $0x90000048  }
0xb8: {  	_ =	sfence  }
0xb9: {  	s30 =	sld [smem:$0x0];
	_ =	sdelay $0x2  }
0xba: {  	s31 =	sshll.u32 s1, $0xD;
	s1 =	sshrl.u32 s1, $0x2  }
0xbb: {  	s3 =	sand.u32 $0x4000, s31;
	s1 =	sadd.s32 s1, s30  }
0xbc: {  	s0 =	sor.u32 s3, s0;
	s1 =	sshll.u32 s1, $0x11  }
0xbd: {  	s0 =	sor.u32 s1, s0  }
0xbe: {  	s0 =	sadd.s32 $0x8F2B, s0  }
0xbf: {  	[sflag:s0] =	ssyncadd.remote.s32 $0x1  }
0xc0: {  	_ =	sfence.sel $0xFFFF  }
0xc1: {  	[dreg:$0x0] =	wrdreg $0xFFFFFFFF;
	(pc) =	sbr.abs _section_cstart, $3  }
0xc2: {  	[dreg:$0x1] =	wrdreg $0xFFFFFFFF  }
0xc3: {  	_ =	task.clear_ibuf [dreg:s8], $0x2FFFF;
	_ =	strace $0x9FFFFFFF  }
0xc4: {  	(tm) =	ssettm $0x7FFFFFFF  }
0xc5: {  	_ =	shalt  }
tec
execute0_lowered:
.L_overlay_start_1:
0x0: {  	(tag) =	ssettag $0x1  }
0x1: {  	s1 =	rddreg [dreg:$0x0]  }
0x2: {  	s3 =	rddreg [dreg:$0x1]  }
0x3: {  	s0 =	srdreg.scid;
	s11 =	rddreg [dreg:$0x2];
	s4 =	simm.s32 $0x0  }
0x4: {  	s14 =	simm.s32 $0x3;
	s15 =	simm.s32 $0x2;
	s16 =	simm.s32 $0x4  }
0x5: {  	s17 =	simm.s32 $0x4000;
	s18 =	simm.s32 $0x5;
	s5 =	sand.u32 $0x1, s0  }
0x6: {  	s19 =	simm.s32 $0x0;
	s0 =	stileid.u32;
	s2 =	sshll.u32 s5, $0x4  }
0x7: {  	[smem:$0x7FF] =	sst s4;
	s5 =	ssub.s32 $0x2, s5;
	s12 =	sor.u32 s0, s2  }
0x8: {  	s2 =	rddreg [dreg:$0x3];
	s6 =	sshrl.u32 s5, $0x1;
	s10 =	smul.u32 $0x16000, s12  }
.Ltmp0:
0x9: {  	s13 =	ssub.s32 s5, s6;
	s12 =	sshll.u32 s12, $0x1;
	(pc) =	sbr.rel .LBB2_1-.Ltmp0, $4  }
0xa: {  	_ =	strace $0x80000047;
	s11 =	sadd.s32 s11, s12;
	s12 =	smax.u32 s13, $0x1  }
0xb: {  	s13 =	simm.s32 $0x1;
	s7 =	sshrl.u32 s10, $0x3;
	s9 =	sadd.s32 $0x2000, s10  }
0xc: {  	s10 =	sadd.s32 $0x3000, s10;
	s5 =	sadd.s32 s1, s7;
	s8 =	sor.u32 $0x200, s7  }
0xd: {  	v0 =	vimm.f32 $1.000000000e+00;
	v1 =	vimm.f32 $4.000000000e+00;
	s6 =	sadd.s32 s3, s7;
	s7 =	sadd.s32 s1, s8;
	s8 =	sadd.s32 s3, s8  }
.LBB2_26:
0xe: {  	v7 =	vadd.f32 v7, v8;
	_ =	sdelay $0x1  }
0xf: {  	v6 =	vadd.f32 v6, v7;
	_ =	sdelay $0x1  }
0x10: {  	v5 =	vadd.f32 v5, v6;
	_ =	sdelay $0x1  }
0x11: {  	v4 =	vadd.f32 v4, v5;
	_ =	sdelay $0x1  }
0x12: {  	v3 =	vadd.f32 v3, v4;
	_ =	sdelay $0x1  }
0x13: {  	v2 =	vadd.f32 v2, v3;
	_ =	sdelay $0x1  }
0x14: {  	s19 =	sadd.s32 $0x1, s19;
	v2 =	vadd.f32 v9, v2  }
0x15: {  	p0 =	sne.s32 s19, s12  }
.Ltmp1:
0x16: {  	[tilespmem:$0x4000] =	vst v2;
	(pc) =	sbr.rel @!p0 .LBB2_27-.Ltmp1, $4  }
0x17: {  	[hbm4b:s11+s4] =	stream.linear.scatter [tilespmem:s17], [sflag:$0x5], $0x10, $0x38;
	[tilespmem:$0x4080] =	vst v63  }
0x18: {  	_ =	swait.ge [sflag:s18], $0x10  }
0x19: {  	[sflag:s18] =	ssyncset.done $0x0  }
0x1a: {  	[sflag:s18] =	ssyncadd.s32 $0xFFFFFFF0  }
.LBB2_1:
0x1b: {  	s20 =	simm.s32 $0x10  }
0x1c: {  	s23 =	sadd.s32 $0x0, s5;
	s21 =	simm.s32 $0x100;
	s22 =	simm.s32 $0x0  }
.LBB2_2:
0x1d: {  	[tilespmem:s22], [sflag:$0x1] =	stream.linear.gather [hbm4b:s23+s4], $0x80, $0x38;
	[tilespmem:$0x4080] =	vst v63  }
0x1e: {  	s23 =	smov.u32 s20;
	s22 =	smov.u32 s21;
	p0 =	sne.s32 s20, $0x1F0  }
.Ltmp2:
0x1f: {  	s20 =	sadd.s32 $0x10, s20;
	(pc) =	sbr.rel @p0 .LBB2_2-.Ltmp2, $2  }
0x20: {  	_ =	sdelay $0x2  }
0x21: {  	s21 =	sadd.s32 $0x100, s21;
	s23 =	sadd.s32 s23, s5  }
0x22: {  	[tilespmem:s22], [sflag:$0x1] =	stream.linear.gather [hbm4b:s23+s4], $0x80, $0x38;
	[tilespmem:$0x4080] =	vst v63  }
0x23: {  	s20 =	simm.s32 $0x2000  }
0x24: {  	s21 =	simm.s32 $0x10;
	s23 =	sadd.s32 $0x0, s6;
	s22 =	simm.s32 $0x2100  }
.LBB2_4:
0x25: {  	[tilespmem:s20], [sflag:$0x3] =	stream.linear.gather [hbm4b:s23+s4], $0x80, $0x38;
	[tilespmem:$0x4080] =	vst v63  }
0x26: {  	s23 =	smov.u32 s21;
	s20 =	smov.u32 s22;
	p0 =	sne.s32 s21, $0x1F0  }
.Ltmp3:
0x27: {  	s21 =	sadd.s32 $0x10, s21;
	(pc) =	sbr.rel @p0 .LBB2_4-.Ltmp3, $2  }
0x28: {  	_ =	sdelay $0x2  }
0x29: {  	s22 =	sadd.s32 $0x100, s22;
	s23 =	sadd.s32 s23, s6  }
0x2a: {  	[tilespmem:s20], [sflag:$0x3] =	stream.linear.gather [hbm4b:s23+s4], $0x80, $0x38;
	[tilespmem:$0x4080] =	vst v63  }
0x2b: {  	s20 =	simm.s32 $0x80  }
0x2c: {  	s21 =	simm.s32 $0x10;
	s23 =	sadd.s32 $0x0, s7;
	s22 =	simm.s32 $0x180  }
.LBB2_6:
0x2d: {  	[tilespmem:s20], [sflag:$0x2] =	stream.linear.gather [hbm4b:s23+s4], $0x80, $0x38;
	[tilespmem:$0x4080] =	vst v63  }
0x2e: {  	s23 =	smov.u32 s21;
	s20 =	smov.u32 s22;
	p0 =	sne.s32 s21, $0x1F0  }
.Ltmp4:
0x2f: {  	s21 =	sadd.s32 $0x10, s21;
	(pc) =	sbr.rel @p0 .LBB2_6-.Ltmp4, $2  }
0x30: {  	_ =	sdelay $0x2  }
0x31: {  	s22 =	sadd.s32 $0x100, s22;
	s23 =	sadd.s32 s23, s7  }
0x32: {  	[tilespmem:s20], [sflag:$0x2] =	stream.linear.gather [hbm4b:s23+s4], $0x80, $0x38;
	[tilespmem:$0x4080] =	vst v63  }
0x33: {  	s20 =	simm.s32 $0x0;
	s21 =	simm.s32 $0x2080;
	s22 =	simm.s32 $0x0  }
.LBB2_8:
0x34: {  	p0 =	sne.s32 s22, $0x1F0  }
.Ltmp5:
0x35: {  	_ = 	snop;
	(pc) =	sbr.rel @p0 .LBB2_8-.Ltmp5, $4  }
0x36: {  	_ = 	snop  }
0x37: {  	s23 =	sadd.s32 s22, s8  }
0x38: {  	[tilespmem:s21], [sflag:$0x4] =	stream.linear.gather [hbm4b:s23+s20], $0x80, $0x38;
	[tilespmem:$0x4080] =	vst v63  }
0x39: {  	s22 =	sadd.s32 $0x10, s22;
	s21 =	sadd.s32 $0x100, s21  }
0x3a: {  	v9 =	vimm.f32 $0.0e+00;
	v2 =	vimm.f32 $0.0e+00  }
0x3b: {  	v3 =	vimm.f32 $0.0e+00;
	v4 =	vimm.f32 $0.0e+00;
	v5 =	vimm.f32 $0.0e+00  }
0x3c: {  	v6 =	vimm.f32 $0.0e+00;
	v7 =	vimm.f32 $0.0e+00;
	v8 =	vimm.f32 $0.0e+00  }
.LBB2_10:
0x3d: {  	_ =	swait.ge [sflag:s13], $0x1000  }
0x3e: {  	[sflag:s13] =	ssyncset.done $0x0  }
0x3f: {  	[sflag:s13] =	ssyncadd.s32 $0xFFFFF000  }
0x40: {  	_ =	swait.ge [sflag:s14], $0x1000  }
0x41: {  	[sflag:s14] =	ssyncset.done $0x0  }
0x42: {  	s21 =	simm.s32 $0x0;
	[sflag:s14] =	ssyncadd.s32 $0xFFFFF000  }
0x43: {  	v10 =	vld [tilespmem:s21+$0x2070]  }
0x44: {  	v11 =	vld [tilespmem:s21+$0x70]  }
0x45: {  	v12 =	vld [tilespmem:s21+$0x0]  }
0x46: {  	v16 =	vld [tilespmem:s21+$0x2000]  }
0x47: {  	v13 =	vld [tilespmem:s21+$0x10]  }
0x48: {  	v17 =	vld [tilespmem:s21+$0x2010]  }
0x49: {  	v14 =	vld [tilespmem:s21+$0x20]  }
0x4a: {  	v18 =	vld [tilespmem:s21+$0x2020]  }
0x4b: {  	v20 =	vld [tilespmem:s21+$0x2030]  }
0x4c: {  	v22 =	vld [tilespmem:s21+$0x50]  }
0x4d: {  	v24 =	vld [tilespmem:s21+$0x2050]  }
0x4e: {  	v25 =	vld [tilespmem:s21+$0x60];
	vm0 =	vgt.f32 v10, $1.000000000e+00  }
0x4f: {  	v28 =	vld [tilespmem:s21+$0x2060];
	v11 =	vsub.f32 v11, v10;
	vm1 =	vgt.f32 v10, $2.000000000e+00;
	vm2 =	vgt.f32 v10, $-2.000000000e+00  }
0x50: {  	vm9 =	vgt.f32 v10, $-1.000000000e+00;
	vm10 =	vgt.f32 v10, $0.0e+00;
	v12 =	vsub.f32 v12, v16  }
0x51: {  	vm11 =	vgt.f32 v16, $2.000000000e+00;
	vm12 =	vgt.f32 v16, $-2.000000000e+00;
	v13 =	vsub.f32 v13, v17  }
0x52: {  	vm13 =	vgt.f32 v17, $2.000000000e+00;
	vm14 =	vgt.f32 v17, $-2.000000000e+00;
	v14 =	vsub.f32 v14, v18  }
0x53: {  	vm3 =	vgt.f32 v18, $2.000000000e+00;
	vm15 =	vgt.f32 v18, $-2.000000000e+00;
	vm8 =	vgt.f32 v20, $2.000000000e+00  }
0x54: {  	vm4 =	vgt.f32 v20, $-2.000000000e+00;
	v22 =	vsub.f32 v22, v24;
	v25 =	vsub.f32 v25, v28  }
0x55: {  	v21 =	vld [tilespmem:s21+$0x2040];
	vm5 =	vgt.f32 v18, $-1.000000000e+00;
	vm6 =	vgt.f32 v20, $1.000000000e+00;
	vm7 =	vgt.f32 v20, $-1.000000000e+00  }
0x56: {  	v15 =	vsel vm1, $0x40000000, v1;
	v19 =	vsel vm2, $0x40000000, v0;
	v23 =	vsel vm13, $0x40000000, v1  }
0x57: {  	v26 =	vsel vm14, $0x40000000, v0;
	v27 =	vsel vm3, $0x40000000, v1;
	v29 =	vsel vm15, $0x40000000, v0  }
0x58: {  	v30 =	vsel vm8, $0x40000000, v1;
	v31 =	vsel vm4, $0x40000000, v0;
	vm13 =	vgt.f32 v28, $2.000000000e+00  }
0x59: {  	vm14 =	vgt.f32 v28, $-2.000000000e+00;
	vm2 =	vgt.f32 v16, $1.000000000e+00;
	vm1 =	vgt.f32 v17, $1.000000000e+00  }
0x5a: {  	vm3 =	vgt.f32 v17, $-1.000000000e+00;
	vm4 =	vgt.f32 v18, $1.000000000e+00;
	vm8 =	vgt.f32 v21, $1.000000000e+00  }
0x5b: {  	vm15 =	vgt.f32 v28, $-1.000000000e+00;
	v15 =	vnsel vm0, $0x41000000, v15;
	v19 =	vsel vm9, $0x40800000, v19  }
0x5c: {  	v11 =	vmul.f32 v11, v11;
	vm9 =	vgt.f32 v21, $2.000000000e+00;
	v36 =	vsel vm13, $0x40000000, v1  }
0x5d: {  	v37 =	vsel vm14, $0x40000000, v0;
	vm0 =	vgt.f32 v16, $-1.000000000e+00;
	v39 =	vmul.f32 v12, v12  }
0x5e: {  	v23 =	vnsel vm1, $0x41000000, v23;
	v26 =	vsel vm3, $0x40800000, v26;
	v40 =	vmul.f32 v13, v13  }
0x5f: {  	v27 =	vnsel vm4, $0x41000000, v27;
	v29 =	vsel vm5, $0x40800000, v29;
	v12 =	vmul.f32 v14, v14  }
0x60: {  	v10 =	vld [tilespmem:s21+$0x30];
	v30 =	vnsel vm6, $0x41000000, v30;
	v31 =	vsel vm7, $0x40800000, v31;
	vm13 =	vgt.f32 v21, $0.0e+00  }
0x61: {  	vm14 =	vgt.f32 v24, $0.0e+00;
	v15 =	vsel vm10, v15, v19;
	vm10 =	vgt.f32 v21, $-2.000000000e+00  }
0x62: {  	v32 =	vsel vm9, $0x40000000, v1;
	vm9 =	vgt.f32 v21, $-1.000000000e+00;
	v61 =	vsel vm15, $0x40800000, v37  }
0x63: {  	vm15 =	vgt.f32 v28, $0.0e+00;
	v11 =	vmul.f32 v15, v11;
	v15 =	vsel vm11, $0x40000000, v1  }
0x64: {  	vm11 =	vgt.f32 v24, $2.000000000e+00;
	v33 =	vsel vm10, $0x40000000, v0;
	vm10 =	vgt.f32 v24, $1.000000000e+00  }
0x65: {  	v19 =	vld [tilespmem:s21+$0x40];
	v10 =	vsub.f32 v10, v20;
	v34 =	vsel vm11, $0x40000000, v1;
	vm11 =	vgt.f32 v24, $-1.000000000e+00  }
0x66: {  	v38 =	vnsel vm2, $0x41000000, v15;
	v59 =	vsel vm9, $0x40800000, v33;
	v15 =	vmul.f32 v22, v22  }
0x67: {  	v9 =	vadd.f32 v11, v9;
	v11 =	vsel vm12, $0x40000000, v0;
	vm12 =	vgt.f32 v24, $-2.000000000e+00  }
0x68: {  	vm9 =	vgt.f32 v16, $0.0e+00;
	v16 =	vmul.f32 v25, v25;
	v35 =	vsel vm12, $0x40000000, v0  }
0x69: {  	vm12 =	vgt.f32 v28, $1.000000000e+00;
	v11 =	vsel vm0, $0x40800000, v11;
	v13 =	vmul.f32 v10, v10  }
0x6a: {  	v10 =	vnsel vm8, $0x41000000, v32;
	v19 =	vsub.f32 v19, v21;
	v60 =	vsel vm11, $0x40800000, v35  }
0x6b: {  	v22 =	vnsel vm12, $0x41000000, v36;
	vm11 =	vgt.f32 v18, $0.0e+00;
	vm12 =	vgt.f32 v20, $0.0e+00  }
0x6c: {  	v62 =	vsel vm9, v38, v11;
	v11 =	vsel vm13, v10, v59;
	v20 =	vsel vm11, v27, v29  }
0x6d: {  	v14 =	vmul.f32 v19, v19;
	v19 =	vnsel vm10, $0x41000000, v34;
	vm10 =	vgt.f32 v17, $0.0e+00  }
0x6e: {  	s22 =	simm.s32 $0x100;
	v21 =	vsel vm12, v30, v31;
	v18 =	vsel vm15, v22, v61;
	v63 =	vsel vm10, v23, v26  }
0x6f: {  	s21 =	simm.s32 $0x800;
	v17 =	vld [tilespmem:s22+$0x2070];
	v19 =	vsel vm14, v19, v60;
	v23 =	vmul.f32 v62, v39;
	v22 =	vmul.f32 v63, v40  }
.LBB2_11:
0x70: {  	p0 =	sne.s32 s21, $0x7C00;
	v24 =	vld [tilespmem:s22+$0x70];
	v10 =	vmul.f32 v20, v12;
	v12 =	vmul.f32 v21, v13  }
0x71: {  	v14 =	vmul.f32 v11, v14;
	v15 =	vmul.f32 v19, v15;
	v13 =	vld [tilespmem:s22+$0x0];
	v8 =	vadd.f32 v23, v8  }
0x72: {  	v7 =	vadd.f32 v22, v7;
	v11 =	vld [tilespmem:s22+$0x2000];
	v6 =	vadd.f32 v10, v6;
	v10 =	vmul.f32 v18, v16  }
0x73: {  	v5 =	vadd.f32 v12, v5;
	v4 =	vadd.f32 v14, v4;
	v16 =	vld [tilespmem:s22+$0x10]  }
0x74: {  	v3 =	vadd.f32 v15, v3;
	v18 =	vld [tilespmem:s22+$0x2010];
	vm0 =	vgt.f32 v17, $1.000000000e+00;
	vm1 =	vgt.f32 v17, $0.0e+00  }
0x75: {  	vm2 =	vgt.f32 v17, $2.000000000e+00;
	vm3 =	vgt.f32 v17, $-2.000000000e+00;
	v12 =	vld [tilespmem:s22+$0x20];
	v14 =	vsub.f32 v24, v17  }
0x76: {  	v15 =	vsel vm2, $0x40000000, v1;
	vm2 =	vgt.f32 v17, $-1.000000000e+00;
	v17 =	vsel vm3, $0x40000000, v0;
	v19 =	vld [tilespmem:s22+$0x2020]  }
0x77: {  	v15 =	vnsel vm0, $0x41000000, v15;
	v17 =	vsel vm2, $0x40800000, v17;
	v20 =	vld [tilespmem:s22+$0x30];
	v14 =	vmul.f32 v14, v14  }
0x78: {  	v13 =	vsub.f32 v13, v11;
	vm0 =	vgt.f32 v11, $2.000000000e+00;
	v15 =	vsel vm1, v15, v17;
	v21 =	vld [tilespmem:s22+$0x2030]  }
0x79: {  	vm1 =	vgt.f32 v11, $-2.000000000e+00;
	v16 =	vsub.f32 v16, v18;
	v17 =	vld [tilespmem:s22+$0x40];
	v14 =	vmul.f32 v15, v14  }
0x7a: {  	v15 =	vsel vm0, $0x40000000, v1;
	vm0 =	vgt.f32 v18, $2.000000000e+00;
	vm2 =	vgt.f32 v18, $-2.000000000e+00;
	v22 =	vld [tilespmem:s22+$0x2040]  }
0x7b: {  	v12 =	vsub.f32 v12, v19;
	vm3 =	vgt.f32 v19, $2.000000000e+00;
	v23 =	vld [tilespmem:s22+$0x50];
	v9 =	vadd.f32 v14, v9  }
0x7c: {  	v24 =	vsel vm0, $0x40000000, v1;
	v14 =	vsel vm1, $0x40000000, v0;
	vm0 =	vgt.f32 v19, $-2.000000000e+00;
	v25 =	vld [tilespmem:s22+$0x2050]  }
0x7d: {  	v20 =	vsub.f32 v20, v21;
	vm1 =	vgt.f32 v21, $2.000000000e+00;
	vm4 =	vgt.f32 v21, $-2.000000000e+00;
	v26 =	vld [tilespmem:s22+$0x60]  }
0x7e: {  	v27 =	vsel vm2, $0x40000000, v0;
	v28 =	vsel vm3, $0x40000000, v1;
	v29 =	vsel vm0, $0x40000000, v0;
	v30 =	vld [tilespmem:s22+$0x2060]  }
0x7f: {  	v17 =	vsub.f32 v17, v22;
	vm0 =	vgt.f32 v22, $2.000000000e+00;
	vm2 =	vgt.f32 v22, $-2.000000000e+00  }
0x80: {  	v31 =	vsel vm1, $0x40000000, v1;
	v32 =	vsel vm4, $0x40000000, v0;
	v33 =	vsel vm0, $0x40000000, v1  }
0x81: {  	v23 =	vsub.f32 v23, v25;
	vm0 =	vgt.f32 v25, $2.000000000e+00;
	vm1 =	vgt.f32 v25, $-2.000000000e+00  }
0x82: {  	v34 =	vsel vm2, $0x40000000, v0;
	v35 =	vsel vm0, $0x40000000, v1;
	v36 =	vsel vm1, $0x40000000, v0  }
0x83: {  	v26 =	vsub.f32 v26, v30;
	vm0 =	vgt.f32 v30, $2.000000000e+00;
	vm1 =	vgt.f32 v30, $-2.000000000e+00  }
0x84: {  	vm2 =	vgt.f32 v11, $1.000000000e+00;
	v37 =	vsel vm0, $0x40000000, v1;
	v38 =	vsel vm1, $0x40000000, v0  }
0x85: {  	vm3 =	vgt.f32 v18, $-1.000000000e+00;
	vm0 =	vgt.f32 v11, $-1.000000000e+00;
	vm1 =	vgt.f32 v18, $1.000000000e+00  }
0x86: {  	vm5 =	vgt.f32 v19, $-1.000000000e+00;
	vm6 =	vgt.f32 v21, $1.000000000e+00;
	vm4 =	vgt.f32 v19, $1.000000000e+00  }
0x87: {  	vm7 =	vgt.f32 v21, $-1.000000000e+00;
	vm8 =	vgt.f32 v22, $1.000000000e+00;
	vm9 =	vgt.f32 v22, $-1.000000000e+00  }
0x88: {  	vm10 =	vgt.f32 v25, $1.000000000e+00;
	vm11 =	vgt.f32 v25, $-1.000000000e+00;
	vm12 =	vgt.f32 v30, $1.000000000e+00  }
0x89: {  	v39 =	vnsel vm2, $0x41000000, v15;
	v40 =	vsel vm0, $0x40800000, v14;
	vm0 =	vgt.f32 v30, $-1.000000000e+00  }
0x8a: {  	v41 =	vmul.f32 v13, v13;
	v27 =	vsel vm3, $0x40800000, v27;
	v24 =	vnsel vm1, $0x41000000, v24  }
0x8b: {  	v42 =	vmul.f32 v16, v16;
	v29 =	vsel vm5, $0x40800000, v29;
	v28 =	vnsel vm4, $0x41000000, v28  }
0x8c: {  	v12 =	vmul.f32 v12, v12;
	v31 =	vnsel vm6, $0x41000000, v31;
	v32 =	vsel vm7, $0x40800000, v32  }
0x8d: {  	v13 =	vmul.f32 v20, v20;
	v33 =	vnsel vm8, $0x41000000, v33;
	v34 =	vsel vm9, $0x40800000, v34  }
0x8e: {  	v14 =	vmul.f32 v17, v17;
	v17 =	vnsel vm10, $0x41000000, v35;
	v35 =	vsel vm11, $0x40800000, v36  }
0x8f: {  	v15 =	vmul.f32 v23, v23;
	v23 =	vnsel vm12, $0x41000000, v37;
	v36 =	vsel vm0, $0x40800000, v38  }
0x90: {  	vm1 =	vgt.f32 v18, $0.0e+00;
	v16 =	vmul.f32 v26, v26;
	vm0 =	vgt.f32 v11, $0.0e+00  }
.Ltmp6:
0x91: {  	vm3 =	vgt.f32 v21, $0.0e+00;
	vm4 =	vgt.f32 v22, $0.0e+00;
	vm2 =	vgt.f32 v19, $0.0e+00;
	(pc) =	sbr.rel @p0 .LBB2_11-.Ltmp6, $4  }
0x92: {  	vm5 =	vgt.f32 v30, $0.0e+00;
	v22 =	vsel vm0, v39, v40;
	vm0 =	vgt.f32 v25, $0.0e+00  }
0x93: {  	v21 =	vsel vm3, v31, v32;
	v20 =	vsel vm2, v28, v29;
	v24 =	vsel vm1, v24, v27  }
0x94: {  	s22 =	sshra.s32 s21, $0x2;
	v11 =	vsel vm4, v33, v34;
	v18 =	vsel vm5, v23, v36;
	v19 =	vsel vm0, v17, v35  }
0x95: {  	v2 =	vadd.f32 v10, v2;
	s21 =	sadd.s32 $0x400, s21;
	v23 =	vmul.f32 v22, v41;
	v22 =	vmul.f32 v24, v42;
	v17 =	vld [tilespmem:s22+$0x2070]  }
0x96: {  	v10 =	vld [tilespmem:s22+$0x70]  }
0x97: {  	v42 =	vld [tilespmem:s22+$0x0]  }
0x98: {  	v44 =	vld [tilespmem:s22+$0x2000]  }
0x99: {  	v46 =	vld [tilespmem:s22+$0x20]  }
0x9a: {  	v12 =	vmul.f32 v20, v12;
	v47 =	vld [tilespmem:s22+$0x2020]  }
0x9b: {  	v13 =	vmul.f32 v21, v13;
	v11 =	vmul.f32 v11, v14;
	v50 =	vld [tilespmem:s22+$0x30]  }
0x9c: {  	v43 =	vmul.f32 v19, v15;
	v51 =	vld [tilespmem:s22+$0x2030];
	v8 =	vadd.f32 v23, v8;
	v7 =	vadd.f32 v22, v7  }
0x9d: {  	v55 =	vld [tilespmem:s22+$0x50];
	v12 =	vadd.f32 v12, v6;
	v6 =	vmul.f32 v18, v16;
	v5 =	vadd.f32 v13, v5  }
0x9e: {  	v25 =	vld [tilespmem:s22+$0x2050];
	v11 =	vadd.f32 v11, v4;
	v3 =	vadd.f32 v43, v3;
	vm0 =	vgt.f32 v17, $1.000000000e+00  }
0x9f: {  	v26 =	vld [tilespmem:s22+$0x60];
	vm1 =	vgt.f32 v17, $0.0e+00;
	vm2 =	vgt.f32 v17, $2.000000000e+00;
	vm3 =	vgt.f32 v17, $-2.000000000e+00  }
0xa0: {  	v29 =	vld [tilespmem:s22+$0x2060];
	vm9 =	vgt.f32 v17, $-1.000000000e+00;
	v2 =	vadd.f32 v6, v2;
	v10 =	vsub.f32 v10, v17  }
0xa1: {  	v48 =	vsel vm2, $0x40000000, v1;
	v49 =	vsel vm3, $0x40000000, v0;
	v20 =	vsub.f32 v42, v44  }
0xa2: {  	vm10 =	vgt.f32 v44, $2.000000000e+00;
	vm11 =	vgt.f32 v44, $-2.000000000e+00;
	v13 =	vsub.f32 v46, v47  }
0xa3: {  	v54 =	vld [tilespmem:s22+$0x2040];
	vm14 =	vgt.f32 v47, $2.000000000e+00;
	vm15 =	vgt.f32 v47, $-2.000000000e+00;
	v14 =	vsub.f32 v50, v51  }
0xa4: {  	vm8 =	vgt.f32 v51, $2.000000000e+00;
	vm4 =	vgt.f32 v51, $-2.000000000e+00;
	v23 =	vsub.f32 v55, v25  }
0xa5: {  	v26 =	vsub.f32 v26, v29;
	vm2 =	vgt.f32 v44, $1.000000000e+00;
	vm5 =	vgt.f32 v47, $-1.000000000e+00  }
0xa6: {  	v45 =	vld [tilespmem:s22+$0x10];
	vm6 =	vgt.f32 v51, $1.000000000e+00;
	vm7 =	vgt.f32 v51, $-1.000000000e+00;
	v19 =	vnsel vm0, $0x41000000, v48  }
0xa7: {  	v4 =	vld [tilespmem:s22+$0x2010];
	v17 =	vsel vm9, $0x40800000, v49;
	v53 =	vsel vm10, $0x40000000, v1;
	v28 =	vsel vm14, $0x40000000, v1  }
0xa8: {  	v52 =	vld [tilespmem:s22+$0x40];
	v30 =	vsel vm15, $0x40000000, v0;
	vm9 =	vgt.f32 v54, $2.000000000e+00;
	vm10 =	vgt.f32 v54, $-2.000000000e+00  }
0xa9: {  	v31 =	vsel vm8, $0x40000000, v1;
	v32 =	vsel vm4, $0x40000000, v0;
	vm14 =	vgt.f32 v29, $-2.000000000e+00  }
0xaa: {  	vm0 =	vgt.f32 v44, $-1.000000000e+00;
	vm4 =	vgt.f32 v47, $1.000000000e+00;
	vm8 =	vgt.f32 v54, $1.000000000e+00  }
0xab: {  	vm15 =	vgt.f32 v29, $-1.000000000e+00;
	v10 =	vmul.f32 v10, v10;
	v17 =	vsel vm1, v19, v17  }
0xac: {  	v16 =	vsub.f32 v45, v4;
	vm12 =	vgt.f32 v4, $2.000000000e+00;
	vm13 =	vgt.f32 v4, $-2.000000000e+00  }
0xad: {  	v19 =	vsub.f32 v52, v54;
	v33 =	vsel vm9, $0x40000000, v1;
	v34 =	vsel vm10, $0x40000000, v0  }
0xae: {  	v38 =	vsel vm14, $0x40000000, v0;
	vm1 =	vgt.f32 v4, $1.000000000e+00;
	vm3 =	vgt.f32 v4, $-1.000000000e+00  }
0xaf: {  	vm9 =	vgt.f32 v54, $-1.000000000e+00;
	vm10 =	vgt.f32 v25, $1.000000000e+00;
	v20 =	vmul.f32 v20, v20  }
0xb0: {  	v28 =	vnsel vm4, $0x41000000, v28;
	v30 =	vsel vm5, $0x40800000, v30;
	v13 =	vmul.f32 v13, v13  }
0xb1: {  	v31 =	vnsel vm6, $0x41000000, v31;
	v32 =	vsel vm7, $0x40800000, v32;
	v14 =	vmul.f32 v14, v14  }
0xb2: {  	v23 =	vmul.f32 v23, v23;
	vm14 =	vgt.f32 v25, $0.0e+00;
	v24 =	vsel vm12, $0x40000000, v1  }
0xb3: {  	v27 =	vsel vm13, $0x40000000, v0;
	vm12 =	vgt.f32 v25, $-2.000000000e+00;
	vm13 =	vgt.f32 v29, $2.000000000e+00  }
0xb4: {  	v33 =	vnsel vm8, $0x41000000, v33;
	v34 =	vsel vm9, $0x40800000, v34;
	v38 =	vsel vm15, $0x40800000, v38  }
0xb5: {  	vm9 =	vgt.f32 v44, $0.0e+00;
	vm15 =	vgt.f32 v29, $0.0e+00;
	v10 =	vmul.f32 v17, v10  }
0xb6: {  	v36 =	vsel vm12, $0x40000000, v0;
	v37 =	vsel vm13, $0x40000000, v1;
	vm12 =	vgt.f32 v29, $1.000000000e+00  }
0xb7: {  	v17 =	vnsel vm2, $0x41000000, v53;
	v24 =	vnsel vm1, $0x41000000, v24;
	v27 =	vsel vm3, $0x40800000, v27  }
0xb8: {  	v16 =	vmul.f32 v16, v16;
	v19 =	vmul.f32 v19, v19;
	vm13 =	vgt.f32 v54, $0.0e+00  }
0xb9: {  	v37 =	vnsel vm12, $0x41000000, v37;
	vm12 =	vgt.f32 v51, $0.0e+00;
	v59 =	vsel vm13, v33, v34  }
0xba: {  	v9 =	vadd.f32 v10, v9;
	v10 =	vsel vm11, $0x40000000, v0;
	vm11 =	vgt.f32 v25, $2.000000000e+00  }
0xbb: {  	v58 =	vsel vm12, v31, v32;
	v61 =	vsel vm15, v37, v38;
	v35 =	vsel vm11, $0x40000000, v1  }
0xbc: {  	vm11 =	vgt.f32 v25, $-1.000000000e+00;
	v10 =	vsel vm0, $0x40800000, v10;
	v14 =	vmul.f32 v58, v14  }
0xbd: {  	v35 =	vnsel vm10, $0x41000000, v35;
	v36 =	vsel vm11, $0x40800000, v36;
	vm10 =	vgt.f32 v4, $0.0e+00  }
0xbe: {  	v4 =	vmul.f32 v26, v26;
	vm11 =	vgt.f32 v47, $0.0e+00;
	v10 =	vsel vm9, v17, v10  }
0xbf: {  	p0 =	seq.s32 s20, $0xA;
	v56 =	vsel vm10, v24, v27;
	v57 =	vsel vm11, v28, v30;
	v10 =	vmul.f32 v10, v20  }
.Ltmp7:
0xc0: {  	v60 =	vsel vm14, v35, v36;
	v15 =	vmul.f32 v56, v16;
	v13 =	vmul.f32 v57, v13;
	(pc) =	sbr.rel @p0 .LBB2_18-.Ltmp7, $4  }
0xc1: {  	v62 =	vmul.f32 v60, v23;
	v63 =	vmul.f32 v61, v4;
	v4 =	vadd.f32 v14, v5  }
0xc2: {  	v8 =	vadd.f32 v10, v8;
	v10 =	vmul.f32 v59, v19;
	v6 =	vadd.f32 v15, v7  }
0xc3: {  	v7 =	vadd.f32 v13, v12;
	v3 =	vadd.f32 v62, v3  }
0xc4: {  	s21 =	sshll.u32 s20, $0xD;
	v2 =	vadd.f32 v63, v2;
	v5 =	vadd.f32 v10, v11  }
0xc5: {  	s22 =	sadd.s32 s21, s9  }
0xc6: {  	s22 =	sshrl.u32 s22, $0x3  }
0xc7: {  	s24 =	simm.s32 $0x0;
	s23 =	sadd.s32 s1, s22  }
0xc8: {  	s25 =	simm.s32 $0x10;
	s26 =	simm.s32 $0x100;
	s28 =	sadd.s32 $0x0, s23  }
.LBB2_14:
0xc9: {  	[tilespmem:s24], [sflag:$0x1] =	stream.linear.gather [hbm4b:s28+s4], $0x80, $0x38;
	[tilespmem:$0x4080] =	vst v63  }
0xca: {  	s28 =	smov.u32 s25;
	s24 =	smov.u32 s26;
	p1 =	sne.s32 s25, $0x1F0  }
.Ltmp8:
0xcb: {  	s25 =	sadd.s32 $0x10, s25;
	(pc) =	sbr.rel @p1 .LBB2_14-.Ltmp8, $2  }
0xcc: {  	_ =	sdelay $0x2  }
0xcd: {  	s26 =	sadd.s32 $0x100, s26;
	s28 =	sadd.s32 s28, s23  }
0xce: {  	[tilespmem:s24], [sflag:$0x1] =	stream.linear.gather [hbm4b:s28+s4], $0x80, $0x38;
	[tilespmem:$0x4080] =	vst v63  }
0xcf: {  	s22 =	sadd.s32 s3, s22;
	s23 =	simm.s32 $0x2000  }
0xd0: {  	s24 =	simm.s32 $0x10;
	s25 =	simm.s32 $0x2100;
	s26 =	sadd.s32 $0x0, s22  }
.LBB2_16:
0xd1: {  	[tilespmem:s23], [sflag:$0x3] =	stream.linear.gather [hbm4b:s26+s4], $0x80, $0x38;
	[tilespmem:$0x4080] =	vst v63  }
0xd2: {  	s26 =	smov.u32 s24;
	s23 =	smov.u32 s25;
	p1 =	sne.s32 s24, $0x1F0  }
.Ltmp9:
0xd3: {  	s24 =	sadd.s32 $0x10, s24;
	(pc) =	sbr.rel @p1 .LBB2_16-.Ltmp9, $2  }
0xd4: {  	_ =	sdelay $0x2  }
0xd5: {  	s25 =	sadd.s32 $0x100, s25;
	s26 =	sadd.s32 s26, s22  }
0xd6: {  	[tilespmem:s23], [sflag:$0x3] =	stream.linear.gather [hbm4b:s26+s4], $0x80, $0x38;
	[tilespmem:$0x4080] =	vst v63  }
.LBB2_18:
0xd7: {  	_ =	swait.ge [sflag:s15], $0x1000  }
0xd8: {  	[sflag:s15] =	ssyncset.done $0x0  }
0xd9: {  	[sflag:s15] =	ssyncadd.s32 $0xFFFFF000  }
0xda: {  	_ =	swait.ge [sflag:s16], $0x1000  }
0xdb: {  	[sflag:s16] =	ssyncset.done $0x0  }
0xdc: {  	s22 =	simm.s32 $0x0;
	[sflag:s16] =	ssyncadd.s32 $0xFFFFF000  }
0xdd: {  	v10 =	vld [tilespmem:s22+$0x20F0]  }
0xde: {  	v11 =	vld [tilespmem:s22+$0xF0]  }
0xdf: {  	v12 =	vld [tilespmem:s22+$0x80]  }
0xe0: {  	v16 =	vld [tilespmem:s22+$0x2080]  }
0xe1: {  	v13 =	vld [tilespmem:s22+$0x90]  }
0xe2: {  	v17 =	vld [tilespmem:s22+$0x2090]  }
0xe3: {  	v14 =	vld [tilespmem:s22+$0xA0]  }
0xe4: {  	v18 =	vld [tilespmem:s22+$0x20A0]  }
0xe5: {  	v20 =	vld [tilespmem:s22+$0x20B0]  }
0xe6: {  	v22 =	vld [tilespmem:s22+$0xD0]  }
0xe7: {  	v24 =	vld [tilespmem:s22+$0x20D0]  }
0xe8: {  	v25 =	vld [tilespmem:s22+$0xE0];
	vm0 =	vgt.f32 v10, $1.000000000e+00  }
0xe9: {  	v28 =	vld [tilespmem:s22+$0x20E0];
	v11 =	vsub.f32 v11, v10;
	vm1 =	vgt.f32 v10, $2.000000000e+00;
	vm2 =	vgt.f32 v10, $-2.000000000e+00  }
0xea: {  	vm9 =	vgt.f32 v10, $-1.000000000e+00;
	vm10 =	vgt.f32 v10, $0.0e+00;
	v12 =	vsub.f32 v12, v16  }
0xeb: {  	vm11 =	vgt.f32 v16, $2.000000000e+00;
	vm12 =	vgt.f32 v16, $-2.000000000e+00;
	v13 =	vsub.f32 v13, v17  }
0xec: {  	vm13 =	vgt.f32 v17, $2.000000000e+00;
	vm14 =	vgt.f32 v17, $-2.000000000e+00;
	v14 =	vsub.f32 v14, v18  }
0xed: {  	vm3 =	vgt.f32 v18, $2.000000000e+00;
	vm15 =	vgt.f32 v18, $-2.000000000e+00;
	vm8 =	vgt.f32 v20, $2.000000000e+00  }
0xee: {  	vm4 =	vgt.f32 v20, $-2.000000000e+00;
	v22 =	vsub.f32 v22, v24;
	v25 =	vsub.f32 v25, v28  }
0xef: {  	v21 =	vld [tilespmem:s22+$0x20C0];
	vm5 =	vgt.f32 v18, $-1.000000000e+00;
	vm6 =	vgt.f32 v20, $1.000000000e+00;
	vm7 =	vgt.f32 v20, $-1.000000000e+00  }
0xf0: {  	v15 =	vsel vm1, $0x40000000, v1;
	v19 =	vsel vm2, $0x40000000, v0;
	v23 =	vsel vm13, $0x40000000, v1  }
0xf1: {  	v26 =	vsel vm14, $0x40000000, v0;
	v27 =	vsel vm3, $0x40000000, v1;
	v29 =	vsel vm15, $0x40000000, v0  }
0xf2: {  	v30 =	vsel vm8, $0x40000000, v1;
	v31 =	vsel vm4, $0x40000000, v0;
	vm13 =	vgt.f32 v28, $2.000000000e+00  }
0xf3: {  	vm14 =	vgt.f32 v28, $-2.000000000e+00;
	vm2 =	vgt.f32 v16, $1.000000000e+00;
	vm1 =	vgt.f32 v17, $1.000000000e+00  }
0xf4: {  	vm3 =	vgt.f32 v17, $-1.000000000e+00;
	vm4 =	vgt.f32 v18, $1.000000000e+00;
	vm8 =	vgt.f32 v21, $1.000000000e+00  }
0xf5: {  	vm15 =	vgt.f32 v28, $-1.000000000e+00;
	v15 =	vnsel vm0, $0x41000000, v15;
	v19 =	vsel vm9, $0x40800000, v19  }
0xf6: {  	v11 =	vmul.f32 v11, v11;
	vm9 =	vgt.f32 v21, $2.000000000e+00;
	v36 =	vsel vm13, $0x40000000, v1  }
0xf7: {  	v37 =	vsel vm14, $0x40000000, v0;
	vm0 =	vgt.f32 v16, $-1.000000000e+00;
	v39 =	vmul.f32 v12, v12  }
0xf8: {  	v23 =	vnsel vm1, $0x41000000, v23;
	v26 =	vsel vm3, $0x40800000, v26;
	v40 =	vmul.f32 v13, v13  }
0xf9: {  	v27 =	vnsel vm4, $0x41000000, v27;
	v29 =	vsel vm5, $0x40800000, v29;
	v12 =	vmul.f32 v14, v14  }
0xfa: {  	v10 =	vld [tilespmem:s22+$0xB0];
	v30 =	vnsel vm6, $0x41000000, v30;
	v31 =	vsel vm7, $0x40800000, v31;
	vm13 =	vgt.f32 v21, $0.0e+00  }
0xfb: {  	vm14 =	vgt.f32 v24, $0.0e+00;
	v15 =	vsel vm10, v15, v19;
	vm10 =	vgt.f32 v21, $-2.000000000e+00  }
0xfc: {  	v32 =	vsel vm9, $0x40000000, v1;
	vm9 =	vgt.f32 v21, $-1.000000000e+00;
	v61 =	vsel vm15, $0x40800000, v37  }
0xfd: {  	vm15 =	vgt.f32 v28, $0.0e+00;
	v11 =	vmul.f32 v15, v11;
	v15 =	vsel vm11, $0x40000000, v1  }
0xfe: {  	vm11 =	vgt.f32 v24, $2.000000000e+00;
	v33 =	vsel vm10, $0x40000000, v0;
	vm10 =	vgt.f32 v24, $1.000000000e+00  }
0xff: {  	v19 =	vld [tilespmem:s22+$0xC0];
	v10 =	vsub.f32 v10, v20;
	v34 =	vsel vm11, $0x40000000, v1;
	vm11 =	vgt.f32 v24, $-1.000000000e+00  }
0x100: {  	v38 =	vnsel vm2, $0x41000000, v15;
	v59 =	vsel vm9, $0x40800000, v33;
	v15 =	vmul.f32 v22, v22  }
0x101: {  	v9 =	vadd.f32 v11, v9;
	v11 =	vsel vm12, $0x40000000, v0;
	vm12 =	vgt.f32 v24, $-2.000000000e+00  }
0x102: {  	vm9 =	vgt.f32 v16, $0.0e+00;
	v16 =	vmul.f32 v25, v25;
	v35 =	vsel vm12, $0x40000000, v0  }
0x103: {  	vm12 =	vgt.f32 v28, $1.000000000e+00;
	v11 =	vsel vm0, $0x40800000, v11;
	v13 =	vmul.f32 v10, v10  }
0x104: {  	v10 =	vnsel vm8, $0x41000000, v32;
	v19 =	vsub.f32 v19, v21;
	v60 =	vsel vm11, $0x40800000, v35  }
0x105: {  	v22 =	vnsel vm12, $0x41000000, v36;
	vm11 =	vgt.f32 v18, $0.0e+00;
	vm12 =	vgt.f32 v20, $0.0e+00  }
0x106: {  	v62 =	vsel vm9, v38, v11;
	v11 =	vsel vm13, v10, v59;
	v20 =	vsel vm11, v27, v29  }
0x107: {  	v14 =	vmul.f32 v19, v19;
	v19 =	vnsel vm10, $0x41000000, v34;
	vm10 =	vgt.f32 v17, $0.0e+00  }
0x108: {  	s23 =	simm.s32 $0x100;
	v21 =	vsel vm12, v30, v31;
	v18 =	vsel vm15, v22, v61;
	v63 =	vsel vm10, v23, v26  }
0x109: {  	s22 =	simm.s32 $0x800;
	v17 =	vld [tilespmem:s23+$0x20F0];
	v19 =	vsel vm14, v19, v60;
	v23 =	vmul.f32 v62, v39;
	v22 =	vmul.f32 v63, v40  }
.LBB2_19:
0x10a: {  	p1 =	sne.s32 s22, $0x7C00;
	v24 =	vld [tilespmem:s23+$0xF0];
	v10 =	vmul.f32 v20, v12;
	v12 =	vmul.f32 v21, v13  }
0x10b: {  	v14 =	vmul.f32 v11, v14;
	v15 =	vmul.f32 v19, v15;
	v13 =	vld [tilespmem:s23+$0x80];
	v8 =	vadd.f32 v23, v8  }
0x10c: {  	v6 =	vadd.f32 v22, v6;
	v11 =	vld [tilespmem:s23+$0x2080];
	v7 =	vadd.f32 v10, v7;
	v10 =	vmul.f32 v18, v16  }
0x10d: {  	v4 =	vadd.f32 v12, v4;
	v5 =	vadd.f32 v14, v5;
	v16 =	vld [tilespmem:s23+$0x90]  }
0x10e: {  	v3 =	vadd.f32 v15, v3;
	v18 =	vld [tilespmem:s23+$0x2090];
	vm0 =	vgt.f32 v17, $1.000000000e+00;
	vm1 =	vgt.f32 v17, $0.0e+00  }
0x10f: {  	vm2 =	vgt.f32 v17, $2.000000000e+00;
	vm3 =	vgt.f32 v17, $-2.000000000e+00;
	v12 =	vld [tilespmem:s23+$0xA0];
	v14 =	vsub.f32 v24, v17  }
0x110: {  	v15 =	vsel vm2, $0x40000000, v1;
	vm2 =	vgt.f32 v17, $-1.000000000e+00;
	v17 =	vsel vm3, $0x40000000, v0;
	v19 =	vld [tilespmem:s23+$0x20A0]  }
0x111: {  	v15 =	vnsel vm0, $0x41000000, v15;
	v17 =	vsel vm2, $0x40800000, v17;
	v20 =	vld [tilespmem:s23+$0xB0];
	v14 =	vmul.f32 v14, v14  }
0x112: {  	v13 =	vsub.f32 v13, v11;
	vm0 =	vgt.f32 v11, $2.000000000e+00;
	v15 =	vsel vm1, v15, v17;
	v21 =	vld [tilespmem:s23+$0x20B0]  }
0x113: {  	vm1 =	vgt.f32 v11, $-2.000000000e+00;
	v16 =	vsub.f32 v16, v18;
	v17 =	vld [tilespmem:s23+$0xC0];
	v14 =	vmul.f32 v15, v14  }
0x114: {  	v15 =	vsel vm0, $0x40000000, v1;
	vm0 =	vgt.f32 v18, $2.000000000e+00;
	vm2 =	vgt.f32 v18, $-2.000000000e+00;
	v22 =	vld [tilespmem:s23+$0x20C0]  }
0x115: {  	v12 =	vsub.f32 v12, v19;
	vm3 =	vgt.f32 v19, $2.000000000e+00;
	v23 =	vld [tilespmem:s23+$0xD0];
	v9 =	vadd.f32 v14, v9  }
0x116: {  	v24 =	vsel vm0, $0x40000000, v1;
	v14 =	vsel vm1, $0x40000000, v0;
	vm0 =	vgt.f32 v19, $-2.000000000e+00;
	v25 =	vld [tilespmem:s23+$0x20D0]  }
0x117: {  	v20 =	vsub.f32 v20, v21;
	vm1 =	vgt.f32 v21, $2.000000000e+00;
	vm4 =	vgt.f32 v21, $-2.000000000e+00;
	v26 =	vld [tilespmem:s23+$0xE0]  }
0x118: {  	v27 =	vsel vm2, $0x40000000, v0;
	v28 =	vsel vm3, $0x40000000, v1;
	v29 =	vsel vm0, $0x40000000, v0;
	v30 =	vld [tilespmem:s23+$0x20E0]  }
0x119: {  	v17 =	vsub.f32 v17, v22;
	vm0 =	vgt.f32 v22, $2.000000000e+00;
	vm2 =	vgt.f32 v22, $-2.000000000e+00  }
0x11a: {  	v31 =	vsel vm1, $0x40000000, v1;
	v32 =	vsel vm4, $0x40000000, v0;
	v33 =	vsel vm0, $0x40000000, v1  }
0x11b: {  	v23 =	vsub.f32 v23, v25;
	vm0 =	vgt.f32 v25, $2.000000000e+00;
	vm1 =	vgt.f32 v25, $-2.000000000e+00  }
0x11c: {  	v34 =	vsel vm2, $0x40000000, v0;
	v35 =	vsel vm0, $0x40000000, v1;
	v36 =	vsel vm1, $0x40000000, v0  }
0x11d: {  	v26 =	vsub.f32 v26, v30;
	vm0 =	vgt.f32 v30, $2.000000000e+00;
	vm1 =	vgt.f32 v30, $-2.000000000e+00  }
0x11e: {  	vm2 =	vgt.f32 v11, $1.000000000e+00;
	v37 =	vsel vm0, $0x40000000, v1;
	v38 =	vsel vm1, $0x40000000, v0  }
0x11f: {  	vm3 =	vgt.f32 v18, $-1.000000000e+00;
	vm0 =	vgt.f32 v11, $-1.000000000e+00;
	vm1 =	vgt.f32 v18, $1.000000000e+00  }
0x120: {  	vm5 =	vgt.f32 v19, $-1.000000000e+00;
	vm6 =	vgt.f32 v21, $1.000000000e+00;
	vm4 =	vgt.f32 v19, $1.000000000e+00  }
0x121: {  	vm7 =	vgt.f32 v21, $-1.000000000e+00;
	vm8 =	vgt.f32 v22, $1.000000000e+00;
	vm9 =	vgt.f32 v22, $-1.000000000e+00  }
0x122: {  	vm10 =	vgt.f32 v25, $1.000000000e+00;
	vm11 =	vgt.f32 v25, $-1.000000000e+00;
	vm12 =	vgt.f32 v30, $1.000000000e+00  }
0x123: {  	v39 =	vnsel vm2, $0x41000000, v15;
	v40 =	vsel vm0, $0x40800000, v14;
	vm0 =	vgt.f32 v30, $-1.000000000e+00  }
0x124: {  	v41 =	vmul.f32 v13, v13;
	v27 =	vsel vm3, $0x40800000, v27;
	v24 =	vnsel vm1, $0x41000000, v24  }
0x125: {  	v42 =	vmul.f32 v16, v16;
	v29 =	vsel vm5, $0x40800000, v29;
	v28 =	vnsel vm4, $0x41000000, v28  }
0x126: {  	v12 =	vmul.f32 v12, v12;
	v31 =	vnsel vm6, $0x41000000, v31;
	v32 =	vsel vm7, $0x40800000, v32  }
0x127: {  	v13 =	vmul.f32 v20, v20;
	v33 =	vnsel vm8, $0x41000000, v33;
	v34 =	vsel vm9, $0x40800000, v34  }
0x128: {  	v14 =	vmul.f32 v17, v17;
	v17 =	vnsel vm10, $0x41000000, v35;
	v35 =	vsel vm11, $0x40800000, v36  }
0x129: {  	v15 =	vmul.f32 v23, v23;
	v23 =	vnsel vm12, $0x41000000, v37;
	v36 =	vsel vm0, $0x40800000, v38  }
0x12a: {  	vm1 =	vgt.f32 v18, $0.0e+00;
	v16 =	vmul.f32 v26, v26;
	vm0 =	vgt.f32 v11, $0.0e+00  }
.Ltmp10:
0x12b: {  	vm3 =	vgt.f32 v21, $0.0e+00;
	vm4 =	vgt.f32 v22, $0.0e+00;
	vm2 =	vgt.f32 v19, $0.0e+00;
	(pc) =	sbr.rel @p1 .LBB2_19-.Ltmp10, $4  }
0x12c: {  	vm5 =	vgt.f32 v30, $0.0e+00;
	v22 =	vsel vm0, v39, v40;
	vm0 =	vgt.f32 v25, $0.0e+00  }
0x12d: {  	v21 =	vsel vm3, v31, v32;
	v20 =	vsel vm2, v28, v29;
	v24 =	vsel vm1, v24, v27  }
0x12e: {  	s23 =	sshra.s32 s22, $0x2;
	v11 =	vsel vm4, v33, v34;
	v18 =	vsel vm5, v23, v36;
	v19 =	vsel vm0, v17, v35  }
0x12f: {  	v2 =	vadd.f32 v10, v2;
	s22 =	sadd.s32 $0x400, s22;
	v23 =	vmul.f32 v22, v41;
	v22 =	vmul.f32 v24, v42;
	v17 =	vld [tilespmem:s23+$0x20F0]  }
0x130: {  	v10 =	vld [tilespmem:s23+$0xF0]  }
0x131: {  	v42 =	vld [tilespmem:s23+$0x80]  }
0x132: {  	v44 =	vld [tilespmem:s23+$0x2080]  }
0x133: {  	v46 =	vld [tilespmem:s23+$0xA0]  }
0x134: {  	v12 =	vmul.f32 v20, v12;
	v47 =	vld [tilespmem:s23+$0x20A0]  }
0x135: {  	v13 =	vmul.f32 v21, v13;
	v11 =	vmul.f32 v11, v14;
	v50 =	vld [tilespmem:s23+$0xB0]  }
0x136: {  	v43 =	vmul.f32 v19, v15;
	v51 =	vld [tilespmem:s23+$0x20B0];
	v8 =	vadd.f32 v23, v8;
	v6 =	vadd.f32 v22, v6  }
0x137: {  	v55 =	vld [tilespmem:s23+$0xD0];
	v12 =	vadd.f32 v12, v7;
	v7 =	vmul.f32 v18, v16;
	v4 =	vadd.f32 v13, v4  }
0x138: {  	v25 =	vld [tilespmem:s23+$0x20D0];
	v11 =	vadd.f32 v11, v5;
	v3 =	vadd.f32 v43, v3;
	vm0 =	vgt.f32 v17, $1.000000000e+00  }
0x139: {  	v26 =	vld [tilespmem:s23+$0xE0];
	vm1 =	vgt.f32 v17, $0.0e+00;
	vm2 =	vgt.f32 v17, $2.000000000e+00;
	vm3 =	vgt.f32 v17, $-2.000000000e+00  }
0x13a: {  	v29 =	vld [tilespmem:s23+$0x20E0];
	vm9 =	vgt.f32 v17, $-1.000000000e+00;
	v2 =	vadd.f32 v7, v2;
	v10 =	vsub.f32 v10, v17  }
0x13b: {  	v48 =	vsel vm2, $0x40000000, v1;
	v49 =	vsel vm3, $0x40000000, v0;
	v20 =	vsub.f32 v42, v44  }
0x13c: {  	vm10 =	vgt.f32 v44, $2.000000000e+00;
	vm11 =	vgt.f32 v44, $-2.000000000e+00;
	v13 =	vsub.f32 v46, v47  }
0x13d: {  	v54 =	vld [tilespmem:s23+$0x20C0];
	vm14 =	vgt.f32 v47, $2.000000000e+00;
	vm15 =	vgt.f32 v47, $-2.000000000e+00;
	v14 =	vsub.f32 v50, v51  }
0x13e: {  	vm8 =	vgt.f32 v51, $2.000000000e+00;
	vm4 =	vgt.f32 v51, $-2.000000000e+00;
	v23 =	vsub.f32 v55, v25  }
0x13f: {  	v26 =	vsub.f32 v26, v29;
	vm2 =	vgt.f32 v44, $1.000000000e+00;
	vm5 =	vgt.f32 v47, $-1.000000000e+00  }
0x140: {  	v45 =	vld [tilespmem:s23+$0x90];
	vm6 =	vgt.f32 v51, $1.000000000e+00;
	vm7 =	vgt.f32 v51, $-1.000000000e+00;
	v19 =	vnsel vm0, $0x41000000, v48  }
0x141: {  	v5 =	vld [tilespmem:s23+$0x2090];
	v17 =	vsel vm9, $0x40800000, v49;
	v53 =	vsel vm10, $0x40000000, v1;
	v28 =	vsel vm14, $0x40000000, v1  }
0x142: {  	v52 =	vld [tilespmem:s23+$0xC0];
	v30 =	vsel vm15, $0x40000000, v0;
	vm9 =	vgt.f32 v54, $2.000000000e+00;
	vm10 =	vgt.f32 v54, $-2.000000000e+00  }
0x143: {  	v31 =	vsel vm8, $0x40000000, v1;
	v32 =	vsel vm4, $0x40000000, v0;
	vm14 =	vgt.f32 v29, $-2.000000000e+00  }
0x144: {  	vm0 =	vgt.f32 v44, $-1.000000000e+00;
	vm4 =	vgt.f32 v47, $1.000000000e+00;
	vm8 =	vgt.f32 v54, $1.000000000e+00  }
0x145: {  	vm15 =	vgt.f32 v29, $-1.000000000e+00;
	v10 =	vmul.f32 v10, v10;
	v17 =	vsel vm1, v19, v17  }
0x146: {  	v16 =	vsub.f32 v45, v5;
	vm12 =	vgt.f32 v5, $2.000000000e+00;
	vm13 =	vgt.f32 v5, $-2.000000000e+00  }
0x147: {  	v19 =	vsub.f32 v52, v54;
	v33 =	vsel vm9, $0x40000000, v1;
	v34 =	vsel vm10, $0x40000000, v0  }
0x148: {  	v38 =	vsel vm14, $0x40000000, v0;
	vm1 =	vgt.f32 v5, $1.000000000e+00;
	vm3 =	vgt.f32 v5, $-1.000000000e+00  }
0x149: {  	vm9 =	vgt.f32 v54, $-1.000000000e+00;
	vm10 =	vgt.f32 v25, $1.000000000e+00;
	v20 =	vmul.f32 v20, v20  }
0x14a: {  	v28 =	vnsel vm4, $0x41000000, v28;
	v30 =	vsel vm5, $0x40800000, v30;
	v13 =	vmul.f32 v13, v13  }
0x14b: {  	v31 =	vnsel vm6, $0x41000000, v31;
	v32 =	vsel vm7, $0x40800000, v32;
	v14 =	vmul.f32 v14, v14  }
0x14c: {  	v23 =	vmul.f32 v23, v23;
	vm14 =	vgt.f32 v25, $0.0e+00;
	v24 =	vsel vm12, $0x40000000, v1  }
0x14d: {  	v27 =	vsel vm13, $0x40000000, v0;
	vm12 =	vgt.f32 v25, $-2.000000000e+00;
	vm13 =	vgt.f32 v29, $2.000000000e+00  }
0x14e: {  	v33 =	vnsel vm8, $0x41000000, v33;
	v34 =	vsel vm9, $0x40800000, v34;
	v38 =	vsel vm15, $0x40800000, v38  }
0x14f: {  	vm9 =	vgt.f32 v44, $0.0e+00;
	vm15 =	vgt.f32 v29, $0.0e+00;
	v10 =	vmul.f32 v17, v10  }
0x150: {  	v36 =	vsel vm12, $0x40000000, v0;
	v37 =	vsel vm13, $0x40000000, v1;
	vm12 =	vgt.f32 v29, $1.000000000e+00  }
0x151: {  	v17 =	vnsel vm2, $0x41000000, v53;
	v24 =	vnsel vm1, $0x41000000, v24;
	v27 =	vsel vm3, $0x40800000, v27  }
0x152: {  	v16 =	vmul.f32 v16, v16;
	v19 =	vmul.f32 v19, v19;
	vm13 =	vgt.f32 v54, $0.0e+00  }
0x153: {  	v37 =	vnsel vm12, $0x41000000, v37;
	vm12 =	vgt.f32 v51, $0.0e+00;
	v59 =	vsel vm13, v33, v34  }
0x154: {  	v9 =	vadd.f32 v10, v9;
	v10 =	vsel vm11, $0x40000000, v0;
	vm11 =	vgt.f32 v25, $2.000000000e+00  }
0x155: {  	v58 =	vsel vm12, v31, v32;
	v61 =	vsel vm15, v37, v38;
	v35 =	vsel vm11, $0x40000000, v1  }
0x156: {  	vm11 =	vgt.f32 v25, $-1.000000000e+00;
	v10 =	vsel vm0, $0x40800000, v10;
	v14 =	vmul.f32 v58, v14  }
0x157: {  	v35 =	vnsel vm10, $0x41000000, v35;
	v36 =	vsel vm11, $0x40800000, v36;
	vm10 =	vgt.f32 v5, $0.0e+00  }
0x158: {  	v5 =	vmul.f32 v26, v26;
	vm11 =	vgt.f32 v47, $0.0e+00;
	v10 =	vsel vm9, v17, v10  }
0x159: {  	v56 =	vsel vm10, v24, v27;
	v57 =	vsel vm11, v28, v30;
	v10 =	vmul.f32 v10, v20  }
.Ltmp11:
0x15a: {  	v60 =	vsel vm14, v35, v36;
	v15 =	vmul.f32 v56, v16;
	v13 =	vmul.f32 v57, v13;
	(pc) =	sbr.rel @p0 .LBB2_26-.Ltmp11, $4  }
0x15b: {  	v62 =	vmul.f32 v60, v23;
	v63 =	vmul.f32 v61, v5;
	v5 =	vadd.f32 v14, v4  }
0x15c: {  	v8 =	vadd.f32 v10, v8;
	v10 =	vmul.f32 v59, v19;
	v7 =	vadd.f32 v15, v6  }
0x15d: {  	v6 =	vadd.f32 v13, v12;
	v3 =	vadd.f32 v62, v3  }
0x15e: {  	v2 =	vadd.f32 v63, v2;
	v4 =	vadd.f32 v10, v11  }
0x15f: {  	s21 =	sadd.s32 s21, s10  }
0x160: {  	s21 =	sshrl.u32 s21, $0x3  }
0x161: {  	s23 =	simm.s32 $0x80;
	s22 =	sadd.s32 s1, s21  }
0x162: {  	s24 =	simm.s32 $0x10;
	s25 =	simm.s32 $0x180;
	s26 =	sadd.s32 $0x0, s22  }
.LBB2_22:
0x163: {  	[tilespmem:s23], [sflag:$0x2] =	stream.linear.gather [hbm4b:s26+s4], $0x80, $0x38;
	[tilespmem:$0x4080] =	vst v63  }
0x164: {  	s26 =	smov.u32 s24;
	s23 =	smov.u32 s25;
	p0 =	sne.s32 s24, $0x1F0  }
.Ltmp12:
0x165: {  	s24 =	sadd.s32 $0x10, s24;
	(pc) =	sbr.rel @p0 .LBB2_22-.Ltmp12, $2  }
0x166: {  	_ =	sdelay $0x2  }
0x167: {  	s25 =	sadd.s32 $0x100, s25;
	s26 =	sadd.s32 s26, s22  }
0x168: {  	[tilespmem:s23], [sflag:$0x2] =	stream.linear.gather [hbm4b:s26+s4], $0x80, $0x38;
	[tilespmem:$0x4080] =	vst v63  }
0x169: {  	s21 =	sadd.s32 s3, s21;
	s22 =	simm.s32 $0x2080  }
0x16a: {  	s23 =	simm.s32 $0x10;
	s24 =	simm.s32 $0x2180;
	s25 =	sadd.s32 $0x0, s21  }
.LBB2_24:
0x16b: {  	[tilespmem:s22], [sflag:$0x4] =	stream.linear.gather [hbm4b:s25+s4], $0x80, $0x38;
	[tilespmem:$0x4080] =	vst v63  }
0x16c: {  	s25 =	smov.u32 s23;
	s22 =	smov.u32 s24;
	p0 =	sne.s32 s23, $0x1F0  }
.Ltmp13:
0x16d: {  	s23 =	sadd.s32 $0x10, s23;
	(pc) =	sbr.rel @p0 .LBB2_24-.Ltmp13, $2  }
0x16e: {  	_ =	sdelay $0x2  }
0x16f: {  	s24 =	sadd.s32 $0x100, s24;
	s25 =	sadd.s32 s25, s21  }
.Ltmp14:
0x170: {  	(pc) =	sbr.rel .LBB2_10-.Ltmp14, $3  }
0x171: {  	_ =	sdelay $0x1  }
0x172: {  	[tilespmem:s22], [sflag:$0x4] =	stream.linear.gather [hbm4b:s25+s4], $0x80, $0x38;
	[tilespmem:$0x4080] =	vst v63  }
0x173: {  	s20 =	sadd.s32 $0x1, s20  }
.LBB2_27:
0x174: {  	_ =	sfence.sel $0x180000  }
0x175: {  	[bflag:$0x0] =	sbarrier.arrive $0xFFFF  }
0x176: {  	p0 =	sne.s32 s0, $0x0;
	_ =	strace $0x90000047  }
0x177: {  	s0 =	sadd.s32 @!p0 $0x100000, s2;
	[bflag:$0x2] =	sbarrier.arrive $0xFFFF  }
0x178: {  	[sflag:s0] =	ssyncadd.tile.s32 @!p0 $0x1;
	_ =	shalt  }
.Lfunc_end2:
_tile_overlayer_lowered:
.L_overlay_start_2:
0x179: {  	(tag) =	ssettag $0x2  }
0x17a: {  	s0 =	rddreg [dreg:$0x0];
	s2 =	stileid.u32  }
0x17b: {  	s1 =	rddreg [dreg:$0x1];
	p0 =	sne.s32 s2, $0x0  }
0x17c: {  	s3 =	rddreg [dreg:$0x2];
	[bflag:$0x3] =	sbarrier.arrive $0xFFFF;
	s2 =	simm.s32 @!p0 $0x1C05  }
0x17d: {  	[timem:s3], [sflag:s2] =	dma.local @!p0 [hbm:s0], s1  }
0x17e: {  	s0 =	simm.s32 @!p0 $0x5  }
0x17f: {  	_ =	swait.ge @!p0 [sflag:s0], s1  }
0x180: {  	s1 =	ssub.s32 @!p0 $0x0, s1;
	[sflag:s0] =	ssyncset.done @!p0 $0x0  }
0x181: {  	[sflag:s0] =	ssyncadd.s32 @!p0 s1  }
0x182: {  	[bflag:$0x3] =	sbarrier.arrive $0xFFFF  }
0x183: {  	_ =	shalt  }

</sc_bundles>
